<compile_context>
chip_gen: v7x
topology: tpu7x:2x2x1
jax: 0.10.2.dev20260603
libtpu: 0.0.44.dev20260713+nightly
codegen_flags: <defaults>
</compile_context>

<pallas_src>
import functools

import jax
import jax.numpy as jnp
from jax import lax
from jax.experimental import pallas as pl
from jax.experimental.pallas import tpu as pltpu
from jax.experimental.pallas import tpu_sc as plsc

_EMB = 128
_NC = 2
_NS = 16
_NW = _NC * _NS
_BPC = 4
_NBUF = 4


@functools.partial(jax.jit, static_argnums=(2, 3, 4))
def _gather_rows(idx, table, batch, fields, nchunk):
    batch_per_w = batch // _NW
    rows_per_chunk = _BPC * fields

    mesh = plsc.VectorSubcoreMesh(core_axis_name="c", subcore_axis_name="s")

    @functools.partial(
        pl.kernel,
        out_type=jax.ShapeDtypeStruct((batch, fields, _EMB), jnp.float32),
        mesh=mesh,
        compiler_params=pltpu.CompilerParams(use_tc_tiling_on_sc=True),
        scratch_types=[
            pltpu.VMEM((nchunk, 128), jnp.int32),
            pltpu.VMEM((_NBUF, rows_per_chunk, _EMB), jnp.float32),
            [pltpu.SemaphoreType.DMA] * _NBUF,
            [pltpu.SemaphoreType.DMA] * _NBUF,
        ],
    )
    def body(idx_hbm, table_hbm, out_hbm, idx_v, rows_v, gsems, wsems):
        wid = lax.axis_index("s") * _NC + lax.axis_index("c")
        pltpu.sync_copy(idx_hbm.at[wid], idx_v)
        batch_base = wid * batch_per_w

        def g_start(j, b):
            pltpu.async_copy(
                table_hbm.at[idx_v.at[j, pl.ds(0, rows_per_chunk)]],
                rows_v.at[b], gsems[b])

        def g_wait(j, b):
            pltpu.make_async_copy(
                table_hbm.at[idx_v.at[j, pl.ds(0, rows_per_chunk)]],
                rows_v.at[b], gsems[b]).wait()

        def w_start(j, b):
            bb = batch_base + j * _BPC
            for k in range(_BPC):
                pltpu.async_copy(
                    rows_v.at[b, pl.ds(k * fields, fields)],
                    out_hbm.at[bb + k], wsems[b])

        def w_wait(j, b):
            bb = batch_base + j * _BPC
            for k in range(_BPC):
                pltpu.make_async_copy(
                    rows_v.at[b, pl.ds(k * fields, fields)],
                    out_hbm.at[bb + k], wsems[b]).wait()

        for b in range(_NBUF):
            g_start(b, b)

        def grp(gi, carry):
            g = gi * _NBUF
            for b in range(_NBUF):
                j = g + b
                g_wait(j, b)
                w_start(j, b)
                w_wait(j, b)

                @pl.when(j + _NBUF < nchunk)
                def _():
                    g_start(j + _NBUF, b)
            return carry

        lax.fori_loop(0, nchunk // _NBUF, grp, 0)

    return body(idx, table)


def kernel(inputs, embedding):
    batch, fields = inputs.shape
    batch_per_w = batch // _NW
    nchunk = batch_per_w // _BPC
    rows_per_chunk = _BPC * fields
    idx = inputs.astype(jnp.int32).reshape(_NW, nchunk, rows_per_chunk)
    idx = jnp.pad(idx, ((0, 0), (0, 0), (0, 128 - rows_per_chunk)))
    return _gather_rows(idx, embedding, batch, fields, nchunk)

# --- scband reference (transcript-rebuilt; emitter-appended) ---
"""Pipeline reference for scband-embedding-layer-28295244546810 (READ-ONLY COPY).

The authoritative reference and input builder live on the scoring server;
editing this copy changes nothing except your own understanding.
"""

import jax, jax.numpy as jnp
import numpy as np

FEATURE_SIZE = 100000
EMB_SIZE = 128
BATCH = 4096
N_FIELDS = 26

def setup_inputs(seed: int = 0) -> dict:
    key = jax.random.key(seed)
    k1, k2 = jax.random.split(key)
    inputs = jax.random.randint(k1, (BATCH, N_FIELDS), 0, FEATURE_SIZE + 1, dtype=jnp.int64 if jax.config.jax_enable_x64 else jnp.int32)
    embedding = jax.random.normal(k2, (FEATURE_SIZE + 1, EMB_SIZE), dtype=jnp.float32) * 0.05
    return {"inputs": inputs, "embedding": embedding}

def reference(inputs, embedding):
    # tf.nn.embedding_lookup(self.embedding, inputs)
    return jnp.take(embedding, inputs, axis=0)

if __name__ == "__main__":
    import jax
    _d = setup_inputs()
    print(jax.jit(kernel)(*tuple(_d.values())))

</pallas_src>

<mosaic_0001>
#map = affine_map<(d0, d1) -> (0, 0, 0)>
#map1 = affine_map<(d0, d1) -> (0, 0)>
module attributes {stable_mosaic.version = 14 : i64} {
  func.func @body(%arg0: i32, %arg1: i32, %arg2: memref<32x32x128xi32, #tpu.memory_space<hbm>>, %arg3: memref<100001x128xf32, #tpu.memory_space<hbm>>, %arg4: memref<4096x26x128xf32, #tpu.memory_space<hbm>>, %arg5: memref<32x128xi32, #tpu.memory_space<vmem>>, %arg6: memref<4x104x128xf32, #tpu.memory_space<vmem>>, %arg7: memref<!tpu.dma_semaphore, #tpu.memory_space<semaphore_mem>>, %arg8: memref<!tpu.dma_semaphore, #tpu.memory_space<semaphore_mem>>, %arg9: memref<!tpu.dma_semaphore, #tpu.memory_space<semaphore_mem>>, %arg10: memref<!tpu.dma_semaphore, #tpu.memory_space<semaphore_mem>>, %arg11: memref<!tpu.dma_semaphore, #tpu.memory_space<semaphore_mem>>, %arg12: memref<!tpu.dma_semaphore, #tpu.memory_space<semaphore_mem>>, %arg13: memref<!tpu.dma_semaphore, #tpu.memory_space<semaphore_mem>>, %arg14: memref<!tpu.dma_semaphore, #tpu.memory_space<semaphore_mem>>) attributes {dimension_semantics = [#tpu.dimension_semantics<core_parallel>, #tpu.dimension_semantics<subcore_parallel>], iteration_bounds = array<i64: 2, 16>, scalar_prefetch = 0 : i64, scratch_operands = 10 : i64, tpu.core_type = #tpu.core_type<sc_vector_subcore>, window_params = [{transform_indices = #map}, {transform_indices = #map1}, {transform_indices = #map}]} {
    %mul3A = arith.constant 2 : i32
    %mul3A_0 = arith.muli %arg1, %mul3A : i32
    %add3A = arith.addi %mul3A_0, %arg0 : i32
    "tpu.region"() ({
      %run_scoped3A = tpu.sem_alloc : memref<!tpu.dma_semaphore, #tpu.memory_space<semaphore_mem>>
      %dma_start3A_55 = arith.constant 0 : i32
      %dma_start3A_56 = arith.constant 0 : i32
      %dma_start3A_57 = tpu.memref_slice %arg2[%add3A, %dma_start3A_55, %dma_start3A_56] : memref<32x32x128xi32, #tpu.memory_space<hbm>> -> memref<1x32x128xi32, #tpu.memory_space<hbm>>
      %dma_start3A_58 = tpu.memref_squeeze %dma_start3A_57 : memref<1x32x128xi32, #tpu.memory_space<hbm>> -> memref<32x128xi32, #tpu.memory_space<hbm>>
      %dma_start3A_59 = arith.constant 0 : i32
      %dma_start3A_60 = arith.constant 0 : i32
      %dma_start3A_61 = tpu.memref_slice %arg2[%add3A, %dma_start3A_59, %dma_start3A_60] : memref<32x32x128xi32, #tpu.memory_space<hbm>> -> memref<1x32x128xi32, #tpu.memory_space<hbm>>
      %dma_start3A_62 = tpu.memref_squeeze %dma_start3A_61 : memref<1x32x128xi32, #tpu.memory_space<hbm>> -> memref<32x128xi32, #tpu.memory_space<hbm>>
      tpu.enqueue_dma source(%dma_start3A_62 : memref<32x128xi32, #tpu.memory_space<hbm>>) target(%arg5 : memref<32x128xi32, #tpu.memory_space<vmem>>) target_semaphore(%run_scoped3A : memref<!tpu.dma_semaphore, #tpu.memory_space<semaphore_mem>>)
      %dma_wait3A = arith.constant 0 : i32
      %dma_wait3A_63 = arith.constant 0 : i32
      %dma_wait3A_64 = tpu.memref_slice %arg2[%add3A, %dma_wait3A, %dma_wait3A_63] : memref<32x32x128xi32, #tpu.memory_space<hbm>> -> memref<1x32x128xi32, #tpu.memory_space<hbm>>
      %dma_wait3A_65 = tpu.memref_squeeze %dma_wait3A_64 : memref<1x32x128xi32, #tpu.memory_space<hbm>> -> memref<32x128xi32, #tpu.memory_space<hbm>>
      %dma_wait3A_66 = arith.constant 0 : i32
      %dma_wait3A_67 = arith.constant 0 : i32
      %dma_wait3A_68 = tpu.memref_slice %arg2[%add3A, %dma_wait3A_66, %dma_wait3A_67] : memref<32x32x128xi32, #tpu.memory_space<hbm>> -> memref<1x32x128xi32, #tpu.memory_space<hbm>>
      %dma_wait3A_69 = tpu.memref_squeeze %dma_wait3A_68 : memref<1x32x128xi32, #tpu.memory_space<hbm>> -> memref<32x128xi32, #tpu.memory_space<hbm>>
      tpu.wait_dma2 semaphore(%run_scoped3A : memref<!tpu.dma_semaphore, #tpu.memory_space<semaphore_mem>>) src(%dma_wait3A_69 : memref<32x128xi32, #tpu.memory_space<hbm>>) dst(%arg5 : memref<32x128xi32, #tpu.memory_space<vmem>>)
      tpu.yield
    }) : () -> ()
    %mul3A_1 = arith.constant 128 : i32
    %mul3A_2 = arith.muli %add3A, %mul3A_1 : i32
    %dma_start3A = arith.constant 0 : i32
    %dma_start3A_3 = arith.constant 0 : i32
    %dma_start3A_4 = arith.constant 0 : i32
    %dma_start3A_5 = arith.constant 0 : i32
    %dma_start3A_6 = tpu.memref_slice %arg6[%dma_start3A_3, %dma_start3A_4, %dma_start3A_5] : memref<4x104x128xf32, #tpu.memory_space<vmem>> -> memref<1x104x128xf32, #tpu.memory_space<vmem>>
    %dma_start3A_7 = tpu.memref_squeeze %dma_start3A_6 : memref<1x104x128xf32, #tpu.memory_space<vmem>> -> memref<104x128xf32, #tpu.memory_space<vmem>>
    %dma_start3A_8 = arith.constant 0 : i32
    %dma_start3A_9 = tpu.memref_slice %arg5[%dma_start3A, %dma_start3A_8] : memref<32x128xi32, #tpu.memory_space<vmem>> -> memref<1x104xi32, #tpu.memory_space<vmem>>
    %dma_start3A_10 = tpu.memref_squeeze %dma_start3A_9 : memref<1x104xi32, #tpu.memory_space<vmem>> -> memref<104xi32, #tpu.memory_space<vmem>>
    %dma_start3A_11 = arith.constant 0 : i32
    %dma_start3A_12 = arith.constant 0 : i32
    %dma_start3A_13 = tpu.memref_slice %arg3[%dma_start3A_11, %dma_start3A_12] : memref<100001x128xf32, #tpu.memory_space<hbm>> -> memref<100001x128xf32, #tpu.memory_space<hbm>>
    tpu.enqueue_indirect_dma source(%dma_start3A_13 : memref<100001x128xf32, #tpu.memory_space<hbm>>) target(%dma_start3A_7 : memref<104x128xf32, #tpu.memory_space<vmem>>) offsets(%dma_start3A_10 : memref<104xi32, #tpu.memory_space<vmem>>) semaphore(%arg7 : memref<!tpu.dma_semaphore, #tpu.memory_space<semaphore_mem>>)
    %dma_start3A_14 = arith.constant 1 : i32
    %dma_start3A_15 = arith.constant 1 : i32
    %dma_start3A_16 = arith.constant 0 : i32
    %dma_start3A_17 = arith.constant 0 : i32
    %dma_start3A_18 = tpu.memref_slice %arg6[%dma_start3A_15, %dma_start3A_16, %dma_start3A_17] : memref<4x104x128xf32, #tpu.memory_space<vmem>> -> memref<1x104x128xf32, #tpu.memory_space<vmem>>
    %dma_start3A_19 = tpu.memref_squeeze %dma_start3A_18 : memref<1x104x128xf32, #tpu.memory_space<vmem>> -> memref<104x128xf32, #tpu.memory_space<vmem>>
    %dma_start3A_20 = arith.constant 0 : i32
    %dma_start3A_21 = tpu.memref_slice %arg5[%dma_start3A_14, %dma_start3A_20] : memref<32x128xi32, #tpu.memory_space<vmem>> -> memref<1x104xi32, #tpu.memory_space<vmem>>
    %dma_start3A_22 = tpu.memref_squeeze %dma_start3A_21 : memref<1x104xi32, #tpu.memory_space<vmem>> -> memref<104xi32, #tpu.memory_space<vmem>>
    %dma_start3A_23 = arith.constant 0 : i32
    %dma_start3A_24 = arith.constant 0 : i32
    %dma_start3A_25 = tpu.memref_slice %arg3[%dma_start3A_23, %dma_start3A_24] : memref<100001x128xf32, #tpu.memory_space<hbm>> -> memref<100001x128xf32, #tpu.memory_space<hbm>>
    tpu.enqueue_indirect_dma source(%dma_start3A_25 : memref<100001x128xf32, #tpu.memory_space<hbm>>) target(%dma_start3A_19 : memref<104x128xf32, #tpu.memory_space<vmem>>) offsets(%dma_start3A_22 : memref<104xi32, #tpu.memory_space<vmem>>) semaphore(%arg8 : memref<!tpu.dma_semaphore, #tpu.memory_space<semaphore_mem>>)
    %dma_start3A_26 = arith.constant 2 : i32
    %dma_start3A_27 = arith.constant 2 : i32
    %dma_start3A_28 = arith.constant 0 : i32
    %dma_start3A_29 = arith.constant 0 : i32
    %dma_start3A_30 = tpu.memref_slice %arg6[%dma_start3A_27, %dma_start3A_28, %dma_start3A_29] : memref<4x104x128xf32, #tpu.memory_space<vmem>> -> memref<1x104x128xf32, #tpu.memory_space<vmem>>
    %dma_start3A_31 = tpu.memref_squeeze %dma_start3A_30 : memref<1x104x128xf32, #tpu.memory_space<vmem>> -> memref<104x128xf32, #tpu.memory_space<vmem>>
    %dma_start3A_32 = arith.constant 0 : i32
    %dma_start3A_33 = tpu.memref_slice %arg5[%dma_start3A_26, %dma_start3A_32] : memref<32x128xi32, #tpu.memory_space<vmem>> -> memref<1x104xi32, #tpu.memory_space<vmem>>
    %dma_start3A_34 = tpu.memref_squeeze %dma_start3A_33 : memref<1x104xi32, #tpu.memory_space<vmem>> -> memref<104xi32, #tpu.memory_space<vmem>>
    %dma_start3A_35 = arith.constant 0 : i32
    %dma_start3A_36 = arith.constant 0 : i32
    %dma_start3A_37 = tpu.memref_slice %arg3[%dma_start3A_35, %dma_start3A_36] : memref<100001x128xf32, #tpu.memory_space<hbm>> -> memref<100001x128xf32, #tpu.memory_space<hbm>>
    tpu.enqueue_indirect_dma source(%dma_start3A_37 : memref<100001x128xf32, #tpu.memory_space<hbm>>) target(%dma_start3A_31 : memref<104x128xf32, #tpu.memory_space<vmem>>) offsets(%dma_start3A_34 : memref<104xi32, #tpu.memory_space<vmem>>) semaphore(%arg9 : memref<!tpu.dma_semaphore, #tpu.memory_space<semaphore_mem>>)
    %dma_start3A_38 = arith.constant 3 : i32
    %dma_start3A_39 = arith.constant 3 : i32
    %dma_start3A_40 = arith.constant 0 : i32
    %dma_start3A_41 = arith.constant 0 : i32
    %dma_start3A_42 = tpu.memref_slice %arg6[%dma_start3A_39, %dma_start3A_40, %dma_start3A_41] : memref<4x104x128xf32, #tpu.memory_space<vmem>> -> memref<1x104x128xf32, #tpu.memory_space<vmem>>
    %dma_start3A_43 = tpu.memref_squeeze %dma_start3A_42 : memref<1x104x128xf32, #tpu.memory_space<vmem>> -> memref<104x128xf32, #tpu.memory_space<vmem>>
    %dma_start3A_44 = arith.constant 0 : i32
    %dma_start3A_45 = tpu.memref_slice %arg5[%dma_start3A_38, %dma_start3A_44] : memref<32x128xi32, #tpu.memory_space<vmem>> -> memref<1x104xi32, #tpu.memory_space<vmem>>
    %dma_start3A_46 = tpu.memref_squeeze %dma_start3A_45 : memref<1x104xi32, #tpu.memory_space<vmem>> -> memref<104xi32, #tpu.memory_space<vmem>>
    %dma_start3A_47 = arith.constant 0 : i32
    %dma_start3A_48 = arith.constant 0 : i32
    %dma_start3A_49 = tpu.memref_slice %arg3[%dma_start3A_47, %dma_start3A_48] : memref<100001x128xf32, #tpu.memory_space<hbm>> -> memref<100001x128xf32, #tpu.memory_space<hbm>>
    tpu.enqueue_indirect_dma source(%dma_start3A_49 : memref<100001x128xf32, #tpu.memory_space<hbm>>) target(%dma_start3A_43 : memref<104x128xf32, #tpu.memory_space<vmem>>) offsets(%dma_start3A_46 : memref<104xi32, #tpu.memory_space<vmem>>) semaphore(%arg10 : memref<!tpu.dma_semaphore, #tpu.memory_space<semaphore_mem>>)
    %scan3A = arith.constant 0 : i32
    %scan3A_50 = arith.constant 0 : i32
    %scan3A_51 = arith.constant 8 : i32
    %scan3A_52 = arith.addi %scan3A_50, %scan3A_51 : i32
    %scan3A_53 = arith.constant 1 : i32
    scf.for %scan3A_55 = %scan3A_50 to %scan3A_52 step %scan3A_53  : i32 {
      %mul3A_56 = arith.constant 4 : i32
      %mul3A_57 = arith.muli %scan3A_55, %mul3A_56 : i32
      %add3A_58 = arith.constant 0 : i32
      %add3A_59 = arith.addi %mul3A_57, %add3A_58 : i32
      %dma_wait3A = arith.constant 0 : i32
      %dma_wait3A_60 = arith.constant 0 : i32
      %dma_wait3A_61 = arith.constant 0 : i32
      %dma_wait3A_62 = tpu.memref_slice %arg6[%dma_wait3A, %dma_wait3A_60, %dma_wait3A_61] : memref<4x104x128xf32, #tpu.memory_space<vmem>> -> memref<1x104x128xf32, #tpu.memory_space<vmem>>
      %dma_wait3A_63 = tpu.memref_squeeze %dma_wait3A_62 : memref<1x104x128xf32, #tpu.memory_space<vmem>> -> memref<104x128xf32, #tpu.memory_space<vmem>>
      %dma_wait3A_64 = arith.constant 0 : i32
      %dma_wait3A_65 = tpu.memref_slice %arg5[%add3A_59, %dma_wait3A_64] : memref<32x128xi32, #tpu.memory_space<vmem>> -> memref<1x104xi32, #tpu.memory_space<vmem>>
      %dma_wait3A_66 = tpu.memref_squeeze %dma_wait3A_65 : memref<1x104xi32, #tpu.memory_space<vmem>> -> memref<104xi32, #tpu.memory_space<vmem>>
      %dma_wait3A_67 = arith.constant 0 : i32
      %dma_wait3A_68 = arith.constant 0 : i32
      %dma_wait3A_69 = tpu.memref_slice %arg3[%dma_wait3A_67, %dma_wait3A_68] : memref<100001x128xf32, #tpu.memory_space<hbm>> -> memref<100001x128xf32, #tpu.memory_space<hbm>>
      tpu.wait_indirect_dma semaphore(%arg7 : memref<!tpu.dma_semaphore, #tpu.memory_space<semaphore_mem>>) src(%dma_wait3A_69 : memref<100001x128xf32, #tpu.memory_space<hbm>>) dst(%dma_wait3A_63 : memref<104x128xf32, #tpu.memory_space<vmem>>)
      %mul3A_70 = arith.constant 4 : i32
      %mul3A_71 = arith.muli %add3A_59, %mul3A_70 : i32
      %add3A_72 = arith.addi %mul3A_2, %mul3A_71 : i32
      %add3A_73 = arith.constant 0 : i32
      %add3A_74 = arith.addi %add3A_72, %add3A_73 : i32
      %dma_start3A_75 = arith.constant 0 : i32
      %dma_start3A_76 = arith.constant 0 : i32
      %dma_start3A_77 = arith.constant 0 : i32
      %dma_start3A_78 = tpu.memref_slice %arg6[%dma_start3A_75, %dma_start3A_76, %dma_start3A_77] : memref<4x104x128xf32, #tpu.memory_space<vmem>> -> memref<1x26x128xf32, #tpu.memory_space<vmem>>
      %dma_start3A_79 = tpu.memref_squeeze %dma_start3A_78 : memref<1x26x128xf32, #tpu.memory_space<vmem>> -> memref<26x128xf32, #tpu.memory_space<vmem>>
      %dma_start3A_80 = arith.constant 0 : i32
      %dma_start3A_81 = arith.constant 0 : i32
      %dma_start3A_82 = tpu.memref_slice %arg4[%add3A_74, %dma_start3A_80, %dma_start3A_81] : memref<4096x26x128xf32, #tpu.memory_space<hbm>> -> memref<1x26x128xf32, #tpu.memory_space<hbm>>
      %dma_start3A_83 = tpu.memref_squeeze %dma_start3A_82 : memref<1x26x128xf32, #tpu.memory_space<hbm>> -> memref<26x128xf32, #tpu.memory_space<hbm>>
      %dma_start3A_84 = arith.constant 0 : i32
      %dma_start3A_85 = arith.constant 0 : i32
      %dma_start3A_86 = tpu.memref_slice %arg4[%add3A_74, %dma_start3A_84, %dma_start3A_85] : memref<4096x26x128xf32, #tpu.memory_space<hbm>> -> memref<1x26x128xf32, #tpu.memory_space<hbm>>
      %dma_start3A_87 = tpu.memref_squeeze %dma_start3A_86 : memref<1x26x128xf32, #tpu.memory_space<hbm>> -> memref<26x128xf32, #tpu.memory_space<hbm>>
      %dma_start3A_88 = arith.constant 0 : i32
      %dma_start3A_89 = arith.constant 0 : i32
      %dma_start3A_90 = tpu.memref_slice %arg6[%dma_start3A_75, %dma_start3A_88, %dma_start3A_89] : memref<4x104x128xf32, #tpu.memory_space<vmem>> -> memref<1x26x128xf32, #tpu.memory_space<vmem>>
      %dma_start3A_91 = tpu.memref_squeeze %dma_start3A_90 : memref<1x26x128xf32, #tpu.memory_space<vmem>> -> memref<26x128xf32, #tpu.memory_space<vmem>>
      tpu.enqueue_dma source(%dma_start3A_91 : memref<26x128xf32, #tpu.memory_space<vmem>>) target(%dma_start3A_87 : memref<26x128xf32, #tpu.memory_space<hbm>>) target_semaphore(%arg11 : memref<!tpu.dma_semaphore, #tpu.memory_space<semaphore_mem>>)
      %add3A_92 = arith.constant 1 : i32
      %add3A_93 = arith.addi %add3A_72, %add3A_92 : i32
      %dma_start3A_94 = arith.constant 0 : i32
      %dma_start3A_95 = arith.constant 26 : i32
      %dma_start3A_96 = arith.constant 0 : i32
      %dma_start3A_97 = tpu.memref_slice %arg6[%dma_start3A_94, %dma_start3A_95, %dma_start3A_96] : memref<4x104x128xf32, #tpu.memory_space<vmem>> -> memref<1x26x128xf32, #tpu.memory_space<vmem>>
      %dma_start3A_98 = tpu.memref_squeeze %dma_start3A_97 : memref<1x26x128xf32, #tpu.memory_space<vmem>> -> memref<26x128xf32, #tpu.memory_space<vmem>>
      %dma_start3A_99 = arith.constant 0 : i32
      %dma_start3A_100 = arith.constant 0 : i32
      %dma_start3A_101 = tpu.memref_slice %arg4[%add3A_93, %dma_start3A_99, %dma_start3A_100] : memref<4096x26x128xf32, #tpu.memory_space<hbm>> -> memref<1x26x128xf32, #tpu.memory_space<hbm>>
      %dma_start3A_102 = tpu.memref_squeeze %dma_start3A_101 : memref<1x26x128xf32, #tpu.memory_space<hbm>> -> memref<26x128xf32, #tpu.memory_space<hbm>>
      %dma_start3A_103 = arith.constant 0 : i32
      %dma_start3A_104 = arith.constant 0 : i32
      %dma_start3A_105 = tpu.memref_slice %arg4[%add3A_93, %dma_start3A_103, %dma_start3A_104] : memref<4096x26x128xf32, #tpu.memory_space<hbm>> -> memref<1x26x128xf32, #tpu.memory_space<hbm>>
      %dma_start3A_106 = tpu.memref_squeeze %dma_start3A_105 : memref<1x26x128xf32, #tpu.memory_space<hbm>> -> memref<26x128xf32, #tpu.memory_space<hbm>>
      %dma_start3A_107 = arith.constant 26 : i32
      %dma_start3A_108 = arith.constant 0 : i32
      %dma_start3A_109 = tpu.memref_slice %arg6[%dma_start3A_94, %dma_start3A_107, %dma_start3A_108] : memref<4x104x128xf32, #tpu.memory_space<vmem>> -> memref<1x26x128xf32, #tpu.memory_space<vmem>>
      %dma_start3A_110 = tpu.memref_squeeze %dma_start3A_109 : memref<1x26x128xf32, #tpu.memory_space<vmem>> -> memref<26x128xf32, #tpu.memory_space<vmem>>
      tpu.enqueue_dma source(%dma_start3A_110 : memref<26x128xf32, #tpu.memory_space<vmem>>) target(%dma_start3A_106 : memref<26x128xf32, #tpu.memory_space<hbm>>) target_semaphore(%arg11 : memref<!tpu.dma_semaphore, #tpu.memory_space<semaphore_mem>>)
      %add3A_111 = arith.constant 2 : i32
      %add3A_112 = arith.addi %add3A_72, %add3A_111 : i32
      %dma_start3A_113 = arith.constant 0 : i32
      %dma_start3A_114 = arith.constant 52 : i32
      %dma_start3A_115 = arith.constant 0 : i32
      %dma_start3A_116 = tpu.memref_slice %arg6[%dma_start3A_113, %dma_start3A_114, %dma_start3A_115] : memref<4x104x128xf32, #tpu.memory_space<vmem>> -> memref<1x26x128xf32, #tpu.memory_space<vmem>>
      %dma_start3A_117 = tpu.memref_squeeze %dma_start3A_116 : memref<1x26x128xf32, #tpu.memory_space<vmem>> -> memref<26x128xf32, #tpu.memory_space<vmem>>
      %dma_start3A_118 = arith.constant 0 : i32
      %dma_start3A_119 = arith.constant 0 : i32
      %dma_start3A_120 = tpu.memref_slice %arg4[%add3A_112, %dma_start3A_118, %dma_start3A_119] : memref<4096x26x128xf32, #tpu.memory_space<hbm>> -> memref<1x26x128xf32, #tpu.memory_space<hbm>>
      %dma_start3A_121 = tpu.memref_squeeze %dma_start3A_120 : memref<1x26x128xf32, #tpu.memory_space<hbm>> -> memref<26x128xf32, #tpu.memory_space<hbm>>
      %dma_start3A_122 = arith.constant 0 : i32
      %dma_start3A_123 = arith.constant 0 : i32
      %dma_start3A_124 = tpu.memref_slice %arg4[%add3A_112, %dma_start3A_122, %dma_start3A_123] : memref<4096x26x128xf32, #tpu.memory_space<hbm>> -> memref<1x26x128xf32, #tpu.memory_space<hbm>>
      %dma_start3A_125 = tpu.memref_squeeze %dma_start3A_124 : memref<1x26x128xf32, #tpu.memory_space<hbm>> -> memref<26x128xf32, #tpu.memory_space<hbm>>
      %dma_start3A_126 = arith.constant 52 : i32
      %dma_start3A_127 = arith.constant 0 : i32
      %dma_start3A_128 = tpu.memref_slice %arg6[%dma_start3A_113, %dma_start3A_126, %dma_start3A_127] : memref<4x104x128xf32, #tpu.memory_space<vmem>> -> memref<1x26x128xf32, #tpu.memory_space<vmem>>
      %dma_start3A_129 = tpu.memref_squeeze %dma_start3A_128 : memref<1x26x128xf32, #tpu.memory_space<vmem>> -> memref<26x128xf32, #tpu.memory_space<vmem>>
      tpu.enqueue_dma source(%dma_start3A_129 : memref<26x128xf32, #tpu.memory_space<vmem>>) target(%dma_start3A_125 : memref<26x128xf32, #tpu.memory_space<hbm>>) target_semaphore(%arg11 : memref<!tpu.dma_semaphore, #tpu.memory_space<semaphore_mem>>)
      %add3A_130 = arith.constant 3 : i32
      %add3A_131 = arith.addi %add3A_72, %add3A_130 : i32
      %dma_start3A_132 = arith.constant 0 : i32
      %dma_start3A_133 = arith.constant 78 : i32
      %dma_start3A_134 = arith.constant 0 : i32
      %dma_start3A_135 = tpu.memref_slice %arg6[%dma_start3A_132, %dma_start3A_133, %dma_start3A_134] : memref<4x104x128xf32, #tpu.memory_space<vmem>> -> memref<1x26x128xf32, #tpu.memory_space<vmem>>
      %dma_start3A_136 = tpu.memref_squeeze %dma_start3A_135 : memref<1x26x128xf32, #tpu.memory_space<vmem>> -> memref<26x128xf32, #tpu.memory_space<vmem>>
      %dma_start3A_137 = arith.constant 0 : i32
      %dma_start3A_138 = arith.constant 0 : i32
      %dma_start3A_139 = tpu.memref_slice %arg4[%add3A_131, %dma_start3A_137, %dma_start3A_138] : memref<4096x26x128xf32, #tpu.memory_space<hbm>> -> memref<1x26x128xf32, #tpu.memory_space<hbm>>
      %dma_start3A_140 = tpu.memref_squeeze %dma_start3A_139 : memref<1x26x128xf32, #tpu.memory_space<hbm>> -> memref<26x128xf32, #tpu.memory_space<hbm>>
      %dma_start3A_141 = arith.constant 0 : i32
      %dma_start3A_142 = arith.constant 0 : i32
      %dma_start3A_143 = tpu.memref_slice %arg4[%add3A_131, %dma_start3A_141, %dma_start3A_142] : memref<4096x26x128xf32, #tpu.memory_space<hbm>> -> memref<1x26x128xf32, #tpu.memory_space<hbm>>
      %dma_start3A_144 = tpu.memref_squeeze %dma_start3A_143 : memref<1x26x128xf32, #tpu.memory_space<hbm>> -> memref<26x128xf32, #tpu.memory_space<hbm>>
      %dma_start3A_145 = arith.constant 78 : i32
      %dma_start3A_146 = arith.constant 0 : i32
      %dma_start3A_147 = tpu.memref_slice %arg6[%dma_start3A_132, %dma_start3A_145, %dma_start3A_146] : memref<4x104x128xf32, #tpu.memory_space<vmem>> -> memref<1x26x128xf32, #tpu.memory_space<vmem>>
      %dma_start3A_148 = tpu.memref_squeeze %dma_start3A_147 : memref<1x26x128xf32, #tpu.memory_space<vmem>> -> memref<26x128xf32, #tpu.memory_space<vmem>>
      tpu.enqueue_dma source(%dma_start3A_148 : memref<26x128xf32, #tpu.memory_space<vmem>>) target(%dma_start3A_144 : memref<26x128xf32, #tpu.memory_space<hbm>>) target_semaphore(%arg11 : memref<!tpu.dma_semaphore, #tpu.memory_space<semaphore_mem>>)
      %mul3A_149 = arith.constant 4 : i32
      %mul3A_150 = arith.muli %add3A_59, %mul3A_149 : i32
      %add3A_151 = arith.addi %mul3A_2, %mul3A_150 : i32
      %add3A_152 = arith.constant 0 : i32
      %add3A_153 = arith.addi %add3A_151, %add3A_152 : i32
      %dma_wait3A_154 = arith.constant 0 : i32
      %dma_wait3A_155 = arith.constant 0 : i32
      %dma_wait3A_156 = arith.constant 0 : i32
      %dma_wait3A_157 = tpu.memref_slice %arg6[%dma_wait3A_154, %dma_wait3A_155, %dma_wait3A_156] : memref<4x104x128xf32, #tpu.memory_space<vmem>> -> memref<1x26x128xf32, #tpu.memory_space<vmem>>
      %dma_wait3A_158 = tpu.memref_squeeze %dma_wait3A_157 : memref<1x26x128xf32, #tpu.memory_space<vmem>> -> memref<26x128xf32, #tpu.memory_space<vmem>>
      %dma_wait3A_159 = arith.constant 0 : i32
      %dma_wait3A_160 = arith.constant 0 : i32
      %dma_wait3A_161 = tpu.memref_slice %arg4[%add3A_153, %dma_wait3A_159, %dma_wait3A_160] : memref<4096x26x128xf32, #tpu.memory_space<hbm>> -> memref<1x26x128xf32, #tpu.memory_space<hbm>>
      %dma_wait3A_162 = tpu.memref_squeeze %dma_wait3A_161 : memref<1x26x128xf32, #tpu.memory_space<hbm>> -> memref<26x128xf32, #tpu.memory_space<hbm>>
      %dma_wait3A_163 = arith.constant 0 : i32
      %dma_wait3A_164 = arith.constant 0 : i32
      %dma_wait3A_165 = tpu.memref_slice %arg4[%add3A_153, %dma_wait3A_163, %dma_wait3A_164] : memref<4096x26x128xf32, #tpu.memory_space<hbm>> -> memref<1x26x128xf32, #tpu.memory_space<hbm>>
      %dma_wait3A_166 = tpu.memref_squeeze %dma_wait3A_165 : memref<1x26x128xf32, #tpu.memory_space<hbm>> -> memref<26x128xf32, #tpu.memory_space<hbm>>
      %dma_wait3A_167 = arith.constant 0 : i32
      %dma_wait3A_168 = arith.constant 0 : i32
      %dma_wait3A_169 = tpu.memref_slice %arg6[%dma_wait3A_154, %dma_wait3A_167, %dma_wait3A_168] : memref<4x104x128xf32, #tpu.memory_space<vmem>> -> memref<1x26x128xf32, #tpu.memory_space<vmem>>
      %dma_wait3A_170 = tpu.memref_squeeze %dma_wait3A_169 : memref<1x26x128xf32, #tpu.memory_space<vmem>> -> memref<26x128xf32, #tpu.memory_space<vmem>>
      tpu.wait_dma2 semaphore(%arg11 : memref<!tpu.dma_semaphore, #tpu.memory_space<semaphore_mem>>) src(%dma_wait3A_170 : memref<26x128xf32, #tpu.memory_space<vmem>>) dst(%dma_wait3A_166 : memref<26x128xf32, #tpu.memory_space<hbm>>)
      %add3A_171 = arith.constant 1 : i32
      %add3A_172 = arith.addi %add3A_151, %add3A_171 : i32
      %dma_wait3A_173 = arith.constant 0 : i32
      %dma_wait3A_174 = arith.constant 26 : i32
      %dma_wait3A_175 = arith.constant 0 : i32
      %dma_wait3A_176 = tpu.memref_slice %arg6[%dma_wait3A_173, %dma_wait3A_174, %dma_wait3A_175] : memref<4x104x128xf32, #tpu.memory_space<vmem>> -> memref<1x26x128xf32, #tpu.memory_space<vmem>>
      %dma_wait3A_177 = tpu.memref_squeeze %dma_wait3A_176 : memref<1x26x128xf32, #tpu.memory_space<vmem>> -> memref<26x128xf32, #tpu.memory_space<vmem>>
      %dma_wait3A_178 = arith.constant 0 : i32
      %dma_wait3A_179 = arith.constant 0 : i32
      %dma_wait3A_180 = tpu.memref_slice %arg4[%add3A_172, %dma_wait3A_178, %dma_wait3A_179] : memref<4096x26x128xf32, #tpu.memory_space<hbm>> -> memref<1x26x128xf32, #tpu.memory_space<hbm>>
      %dma_wait3A_181 = tpu.memref_squeeze %dma_wait3A_180 : memref<1x26x128xf32, #tpu.memory_space<hbm>> -> memref<26x128xf32, #tpu.memory_space<hbm>>
      %dma_wait3A_182 = arith.constant 0 : i32
      %dma_wait3A_183 = arith.constant 0 : i32
      %dma_wait3A_184 = tpu.memref_slice %arg4[%add3A_172, %dma_wait3A_182, %dma_wait3A_183] : memref<4096x26x128xf32, #tpu.memory_space<hbm>> -> memref<1x26x128xf32, #tpu.memory_space<hbm>>
      %dma_wait3A_185 = tpu.memref_squeeze %dma_wait3A_184 : memref<1x26x128xf32, #tpu.memory_space<hbm>> -> memref<26x128xf32, #tpu.memory_space<hbm>>
      %dma_wait3A_186 = arith.constant 26 : i32
      %dma_wait3A_187 = arith.constant 0 : i32
      %dma_wait3A_188 = tpu.memref_slice %arg6[%dma_wait3A_173, %dma_wait3A_186, %dma_wait3A_187] : memref<4x104x128xf32, #tpu.memory_space<vmem>> -> memref<1x26x128xf32, #tpu.memory_space<vmem>>
      %dma_wait3A_189 = tpu.memref_squeeze %dma_wait3A_188 : memref<1x26x128xf32, #tpu.memory_space<vmem>> -> memref<26x128xf32, #tpu.memory_space<vmem>>
      tpu.wait_dma2 semaphore(%arg11 : memref<!tpu.dma_semaphore, #tpu.memory_space<semaphore_mem>>) src(%dma_wait3A_189 : memref<26x128xf32, #tpu.memory_space<vmem>>) dst(%dma_wait3A_185 : memref<26x128xf32, #tpu.memory_space<hbm>>)
      %add3A_190 = arith.constant 2 : i32
      %add3A_191 = arith.addi %add3A_151, %add3A_190 : i32
      %dma_wait3A_192 = arith.constant 0 : i32
      %dma_wait3A_193 = arith.constant 52 : i32
      %dma_wait3A_194 = arith.constant 0 : i32
      %dma_wait3A_195 = tpu.memref_slice %arg6[%dma_wait3A_192, %dma_wait3A_193, %dma_wait3A_194] : memref<4x104x128xf32, #tpu.memory_space<vmem>> -> memref<1x26x128xf32, #tpu.memory_space<vmem>>
      %dma_wait3A_196 = tpu.memref_squeeze %dma_wait3A_195 : memref<1x26x128xf32, #tpu.memory_space<vmem>> -> memref<26x128xf32, #tpu.memory_space<vmem>>
      %dma_wait3A_197 = arith.constant 0 : i32
      %dma_wait3A_198 = arith.constant 0 : i32
      %dma_wait3A_199 = tpu.memref_slice %arg4[%add3A_191, %dma_wait3A_197, %dma_wait3A_198] : memref<4096x26x128xf32, #tpu.memory_space<hbm>> -> memref<1x26x128xf32, #tpu.memory_space<hbm>>
      %dma_wait3A_200 = tpu.memref_squeeze %dma_wait3A_199 : memref<1x26x128xf32, #tpu.memory_space<hbm>> -> memref<26x128xf32, #tpu.memory_space<hbm>>
      %dma_wait3A_201 = arith.constant 0 : i32
      %dma_wait3A_202 = arith.constant 0 : i32
      %dma_wait3A_203 = tpu.memref_slice %arg4[%add3A_191, %dma_wait3A_201, %dma_wait3A_202] : memref<4096x26x128xf32, #tpu.memory_space<hbm>> -> memref<1x26x128xf32, #tpu.memory_space<hbm>>
      %dma_wait3A_204 = tpu.memref_squeeze %dma_wait3A_203 : memref<1x26x128xf32, #tpu.memory_space<hbm>> -> memref<26x128xf32, #tpu.memory_space<hbm>>
      %dma_wait3A_205 = arith.constant 52 : i32
      %dma_wait3A_206 = arith.constant 0 : i32
      %dma_wait3A_207 = tpu.memref_slice %arg6[%dma_wait3A_192, %dma_wait3A_205, %dma_wait3A_206] : memref<4x104x128xf32, #tpu.memory_space<vmem>> -> memref<1x26x128xf32, #tpu.memory_space<vmem>>
      %dma_wait3A_208 = tpu.memref_squeeze %dma_wait3A_207 : memref<1x26x128xf32, #tpu.memory_space<vmem>> -> memref<26x128xf32, #tpu.memory_space<vmem>>
      tpu.wait_dma2 semaphore(%arg11 : memref<!tpu.dma_semaphore, #tpu.memory_space<semaphore_mem>>) src(%dma_wait3A_208 : memref<26x128xf32, #tpu.memory_space<vmem>>) dst(%dma_wait3A_204 : memref<26x128xf32, #tpu.memory_space<hbm>>)
      %add3A_209 = arith.constant 3 : i32
      %add3A_210 = arith.addi %add3A_151, %add3A_209 : i32
      %dma_wait3A_211 = arith.constant 0 : i32
      %dma_wait3A_212 = arith.constant 78 : i32
      %dma_wait3A_213 = arith.constant 0 : i32
      %dma_wait3A_214 = tpu.memref_slice %arg6[%dma_wait3A_211, %dma_wait3A_212, %dma_wait3A_213] : memref<4x104x128xf32, #tpu.memory_space<vmem>> -> memref<1x26x128xf32, #tpu.memory_space<vmem>>
      %dma_wait3A_215 = tpu.memref_squeeze %dma_wait3A_214 : memref<1x26x128xf32, #tpu.memory_space<vmem>> -> memref<26x128xf32, #tpu.memory_space<vmem>>
      %dma_wait3A_216 = arith.constant 0 : i32
      %dma_wait3A_217 = arith.constant 0 : i32
      %dma_wait3A_218 = tpu.memref_slice %arg4[%add3A_210, %dma_wait3A_216, %dma_wait3A_217] : memref<4096x26x128xf32, #tpu.memory_space<hbm>> -> memref<1x26x128xf32, #tpu.memory_space<hbm>>
      %dma_wait3A_219 = tpu.memref_squeeze %dma_wait3A_218 : memref<1x26x128xf32, #tpu.memory_space<hbm>> -> memref<26x128xf32, #tpu.memory_space<hbm>>
      %dma_wait3A_220 = arith.constant 0 : i32
      %dma_wait3A_221 = arith.constant 0 : i32
      %dma_wait3A_222 = tpu.memref_slice %arg4[%add3A_210, %dma_wait3A_220, %dma_wait3A_221] : memref<4096x26x128xf32, #tpu.memory_space<hbm>> -> memref<1x26x128xf32, #tpu.memory_space<hbm>>
      %dma_wait3A_223 = tpu.memref_squeeze %dma_wait3A_222 : memref<1x26x128xf32, #tpu.memory_space<hbm>> -> memref<26x128xf32, #tpu.memory_space<hbm>>
      %dma_wait3A_224 = arith.constant 78 : i32
      %dma_wait3A_225 = arith.constant 0 : i32
      %dma_wait3A_226 = tpu.memref_slice %arg6[%dma_wait3A_211, %dma_wait3A_224, %dma_wait3A_225] : memref<4x104x128xf32, #tpu.memory_space<vmem>> -> memref<1x26x128xf32, #tpu.memory_space<vmem>>
      %dma_wait3A_227 = tpu.memref_squeeze %dma_wait3A_226 : memref<1x26x128xf32, #tpu.memory_space<vmem>> -> memref<26x128xf32, #tpu.memory_space<vmem>>
      tpu.wait_dma2 semaphore(%arg11 : memref<!tpu.dma_semaphore, #tpu.memory_space<semaphore_mem>>) src(%dma_wait3A_227 : memref<26x128xf32, #tpu.memory_space<vmem>>) dst(%dma_wait3A_223 : memref<26x128xf32, #tpu.memory_space<hbm>>)
      %add3A_228 = arith.constant 4 : i32
      %add3A_229 = arith.addi %add3A_59, %add3A_228 : i32
      %lt3A = arith.constant 32 : i32
      %lt3A_230 = arith.cmpi slt, %add3A_229, %lt3A : i32
      %convert_element_type3A = arith.extui %lt3A_230 : i1 to i32
      %cond3A = arith.constant 0 : i32
      %cond3A_231 = arith.cmpi ne, %convert_element_type3A, %cond3A : i32
      scf.if %cond3A_231 {
        %add3A_766 = arith.constant 4 : i32
        %add3A_767 = arith.addi %add3A_59, %add3A_766 : i32
        %dma_start3A_768 = arith.constant 0 : i32
        %dma_start3A_769 = arith.constant 0 : i32
        %dma_start3A_770 = arith.constant 0 : i32
        %dma_start3A_771 = tpu.memref_slice %arg6[%dma_start3A_768, %dma_start3A_769, %dma_start3A_770] : memref<4x104x128xf32, #tpu.memory_space<vmem>> -> memref<1x104x128xf32, #tpu.memory_space<vmem>>
        %dma_start3A_772 = tpu.memref_squeeze %dma_start3A_771 : memref<1x104x128xf32, #tpu.memory_space<vmem>> -> memref<104x128xf32, #tpu.memory_space<vmem>>
        %dma_start3A_773 = arith.constant 0 : i32
        %dma_start3A_774 = tpu.memref_slice %arg5[%add3A_767, %dma_start3A_773] : memref<32x128xi32, #tpu.memory_space<vmem>> -> memref<1x104xi32, #tpu.memory_space<vmem>>
        %dma_start3A_775 = tpu.memref_squeeze %dma_start3A_774 : memref<1x104xi32, #tpu.memory_space<vmem>> -> memref<104xi32, #tpu.memory_space<vmem>>
        %dma_start3A_776 = arith.constant 0 : i32
        %dma_start3A_777 = arith.constant 0 : i32
        %dma_start3A_778 = tpu.memref_slice %arg3[%dma_start3A_776, %dma_start3A_777] : memref<100001x128xf32, #tpu.memory_space<hbm>> -> memref<100001x128xf32, #tpu.memory_space<hbm>>
        tpu.enqueue_indirect_dma source(%dma_start3A_778 : memref<100001x128xf32, #tpu.memory_space<hbm>>) target(%dma_start3A_772 : memref<104x128xf32, #tpu.memory_space<vmem>>) offsets(%dma_start3A_775 : memref<104xi32, #tpu.memory_space<vmem>>) semaphore(%arg7 : memref<!tpu.dma_semaphore, #tpu.memory_space<semaphore_mem>>)
      } else {
      }
      %add3A_232 = arith.constant 1 : i32
      %add3A_233 = arith.addi %mul3A_57, %add3A_232 : i32
      %dma_wait3A_234 = arith.constant 1 : i32
      %dma_wait3A_235 = arith.constant 0 : i32
      %dma_wait3A_236 = arith.constant 0 : i32
      %dma_wait3A_237 = tpu.memref_slice %arg6[%dma_wait3A_234, %dma_wait3A_235, %dma_wait3A_236] : memref<4x104x128xf32, #tpu.memory_space<vmem>> -> memref<1x104x128xf32, #tpu.memory_space<vmem>>
      %dma_wait3A_238 = tpu.memref_squeeze %dma_wait3A_237 : memref<1x104x128xf32, #tpu.memory_space<vmem>> -> memref<104x128xf32, #tpu.memory_space<vmem>>
      %dma_wait3A_239 = arith.constant 0 : i32
      %dma_wait3A_240 = tpu.memref_slice %arg5[%add3A_233, %dma_wait3A_239] : memref<32x128xi32, #tpu.memory_space<vmem>> -> memref<1x104xi32, #tpu.memory_space<vmem>>
      %dma_wait3A_241 = tpu.memref_squeeze %dma_wait3A_240 : memref<1x104xi32, #tpu.memory_space<vmem>> -> memref<104xi32, #tpu.memory_space<vmem>>
      %dma_wait3A_242 = arith.constant 0 : i32
      %dma_wait3A_243 = arith.constant 0 : i32
      %dma_wait3A_244 = tpu.memref_slice %arg3[%dma_wait3A_242, %dma_wait3A_243] : memref<100001x128xf32, #tpu.memory_space<hbm>> -> memref<100001x128xf32, #tpu.memory_space<hbm>>
      tpu.wait_indirect_dma semaphore(%arg8 : memref<!tpu.dma_semaphore, #tpu.memory_space<semaphore_mem>>) src(%dma_wait3A_244 : memref<100001x128xf32, #tpu.memory_space<hbm>>) dst(%dma_wait3A_238 : memref<104x128xf32, #tpu.memory_space<vmem>>)
      %mul3A_245 = arith.constant 4 : i32
      %mul3A_246 = arith.muli %add3A_233, %mul3A_245 : i32
      %add3A_247 = arith.addi %mul3A_2, %mul3A_246 : i32
      %add3A_248 = arith.constant 0 : i32
      %add3A_249 = arith.addi %add3A_247, %add3A_248 : i32
      %dma_start3A_250 = arith.constant 1 : i32
      %dma_start3A_251 = arith.constant 0 : i32
      %dma_start3A_252 = arith.constant 0 : i32
      %dma_start3A_253 = tpu.memref_slice %arg6[%dma_start3A_250, %dma_start3A_251, %dma_start3A_252] : memref<4x104x128xf32, #tpu.memory_space<vmem>> -> memref<1x26x128xf32, #tpu.memory_space<vmem>>
      %dma_start3A_254 = tpu.memref_squeeze %dma_start3A_253 : memref<1x26x128xf32, #tpu.memory_space<vmem>> -> memref<26x128xf32, #tpu.memory_space<vmem>>
      %dma_start3A_255 = arith.constant 0 : i32
      %dma_start3A_256 = arith.constant 0 : i32
      %dma_start3A_257 = tpu.memref_slice %arg4[%add3A_249, %dma_start3A_255, %dma_start3A_256] : memref<4096x26x128xf32, #tpu.memory_space<hbm>> -> memref<1x26x128xf32, #tpu.memory_space<hbm>>
      %dma_start3A_258 = tpu.memref_squeeze %dma_start3A_257 : memref<1x26x128xf32, #tpu.memory_space<hbm>> -> memref<26x128xf32, #tpu.memory_space<hbm>>
      %dma_start3A_259 = arith.constant 0 : i32
      %dma_start3A_260 = arith.constant 0 : i32
      %dma_start3A_261 = tpu.memref_slice %arg4[%add3A_249, %dma_start3A_259, %dma_start3A_260] : memref<4096x26x128xf32, #tpu.memory_space<hbm>> -> memref<1x26x128xf32, #tpu.memory_space<hbm>>
      %dma_start3A_262 = tpu.memref_squeeze %dma_start3A_261 : memref<1x26x128xf32, #tpu.memory_space<hbm>> -> memref<26x128xf32, #tpu.memory_space<hbm>>
      %dma_start3A_263 = arith.constant 0 : i32
      %dma_start3A_264 = arith.constant 0 : i32
      %dma_start3A_265 = tpu.memref_slice %arg6[%dma_start3A_250, %dma_start3A_263, %dma_start3A_264] : memref<4x104x128xf32, #tpu.memory_space<vmem>> -> memref<1x26x128xf32, #tpu.memory_space<vmem>>
      %dma_start3A_266 = tpu.memref_squeeze %dma_start3A_265 : memref<1x26x128xf32, #tpu.memory_space<vmem>> -> memref<26x128xf32, #tpu.memory_space<vmem>>
      tpu.enqueue_dma source(%dma_start3A_266 : memref<26x128xf32, #tpu.memory_space<vmem>>) target(%dma_start3A_262 : memref<26x128xf32, #tpu.memory_space<hbm>>) target_semaphore(%arg12 : memref<!tpu.dma_semaphore, #tpu.memory_space<semaphore_mem>>)
      %add3A_267 = arith.constant 1 : i32
      %add3A_268 = arith.addi %add3A_247, %add3A_267 : i32
      %dma_start3A_269 = arith.constant 1 : i32
      %dma_start3A_270 = arith.constant 26 : i32
      %dma_start3A_271 = arith.constant 0 : i32
      %dma_start3A_272 = tpu.memref_slice %arg6[%dma_start3A_269, %dma_start3A_270, %dma_start3A_271] : memref<4x104x128xf32, #tpu.memory_space<vmem>> -> memref<1x26x128xf32, #tpu.memory_space<vmem>>
      %dma_start3A_273 = tpu.memref_squeeze %dma_start3A_272 : memref<1x26x128xf32, #tpu.memory_space<vmem>> -> memref<26x128xf32, #tpu.memory_space<vmem>>
      %dma_start3A_274 = arith.constant 0 : i32
      %dma_start3A_275 = arith.constant 0 : i32
      %dma_start3A_276 = tpu.memref_slice %arg4[%add3A_268, %dma_start3A_274, %dma_start3A_275] : memref<4096x26x128xf32, #tpu.memory_space<hbm>> -> memref<1x26x128xf32, #tpu.memory_space<hbm>>
      %dma_start3A_277 = tpu.memref_squeeze %dma_start3A_276 : memref<1x26x128xf32, #tpu.memory_space<hbm>> -> memref<26x128xf32, #tpu.memory_space<hbm>>
      %dma_start3A_278 = arith.constant 0 : i32
      %dma_start3A_279 = arith.constant 0 : i32
      %dma_start3A_280 = tpu.memref_slice %arg4[%add3A_268, %dma_start3A_278, %dma_start3A_279] : memref<4096x26x128xf32, #tpu.memory_space<hbm>> -> memref<1x26x128xf32, #tpu.memory_space<hbm>>
      %dma_start3A_281 = tpu.memref_squeeze %dma_start3A_280 : memref<1x26x128xf32, #tpu.memory_space<hbm>> -> memref<26x128xf32, #tpu.memory_space<hbm>>
      %dma_start3A_282 = arith.constant 26 : i32
      %dma_start3A_283 = arith.constant 0 : i32
      %dma_start3A_284 = tpu.memref_slice %arg6[%dma_start3A_269, %dma_start3A_282, %dma_start3A_283] : memref<4x104x128xf32, #tpu.memory_space<vmem>> -> memref<1x26x128xf32, #tpu.memory_space<vmem>>
      %dma_start3A_285 = tpu.memref_squeeze %dma_start3A_284 : memref<1x26x128xf32, #tpu.memory_space<vmem>> -> memref<26x128xf32, #tpu.memory_space<vmem>>
      tpu.enqueue_dma source(%dma_start3A_285 : memref<26x128xf32, #tpu.memory_space<vmem>>) target(%dma_start3A_281 : memref<26x128xf32, #tpu.memory_space<hbm>>) target_semaphore(%arg12 : memref<!tpu.dma_semaphore, #tpu.memory_space<semaphore_mem>>)
      %add3A_286 = arith.constant 2 : i32
      %add3A_287 = arith.addi %add3A_247, %add3A_286 : i32
      %dma_start3A_288 = arith.constant 1 : i32
      %dma_start3A_289 = arith.constant 52 : i32
      %dma_start3A_290 = arith.constant 0 : i32
      %dma_start3A_291 = tpu.memref_slice %arg6[%dma_start3A_288, %dma_start3A_289, %dma_start3A_290] : memref<4x104x128xf32, #tpu.memory_space<vmem>> -> memref<1x26x128xf32, #tpu.memory_space<vmem>>
      %dma_start3A_292 = tpu.memref_squeeze %dma_start3A_291 : memref<1x26x128xf32, #tpu.memory_space<vmem>> -> memref<26x128xf32, #tpu.memory_space<vmem>>
      %dma_start3A_293 = arith.constant 0 : i32
      %dma_start3A_294 = arith.constant 0 : i32
      %dma_start3A_295 = tpu.memref_slice %arg4[%add3A_287, %dma_start3A_293, %dma_start3A_294] : memref<4096x26x128xf32, #tpu.memory_space<hbm>> -> memref<1x26x128xf32, #tpu.memory_space<hbm>>
      %dma_start3A_296 = tpu.memref_squeeze %dma_start3A_295 : memref<1x26x128xf32, #tpu.memory_space<hbm>> -> memref<26x128xf32, #tpu.memory_space<hbm>>
      %dma_start3A_297 = arith.constant 0 : i32
      %dma_start3A_298 = arith.constant 0 : i32
      %dma_start3A_299 = tpu.memref_slice %arg4[%add3A_287, %dma_start3A_297, %dma_start3A_298] : memref<4096x26x128xf32, #tpu.memory_space<hbm>> -> memref<1x26x128xf32, #tpu.memory_space<hbm>>
      %dma_start3A_300 = tpu.memref_squeeze %dma_start3A_299 : memref<1x26x128xf32, #tpu.memory_space<hbm>> -> memref<26x128xf32, #tpu.memory_space<hbm>>
      %dma_start3A_301 = arith.constant 52 : i32
      %dma_start3A_302 = arith.constant 0 : i32
      %dma_start3A_303 = tpu.memref_slice %arg6[%dma_start3A_288, %dma_start3A_301, %dma_start3A_302] : memref<4x104x128xf32, #tpu.memory_space<vmem>> -> memref<1x26x128xf32, #tpu.memory_space<vmem>>
      %dma_start3A_304 = tpu.memref_squeeze %dma_start3A_303 : memref<1x26x128xf32, #tpu.memory_space<vmem>> -> memref<26x128xf32, #tpu.memory_space<vmem>>
      tpu.enqueue_dma source(%dma_start3A_304 : memref<26x128xf32, #tpu.memory_space<vmem>>) target(%dma_start3A_300 : memref<26x128xf32, #tpu.memory_space<hbm>>) target_semaphore(%arg12 : memref<!tpu.dma_semaphore, #tpu.memory_space<semaphore_mem>>)
      %add3A_305 = arith.constant 3 : i32
      %add3A_306 = arith.addi %add3A_247, %add3A_305 : i32
      %dma_start3A_307 = arith.constant 1 : i32
      %dma_start3A_308 = arith.constant 78 : i32
      %dma_start3A_309 = arith.constant 0 : i32
      %dma_start3A_310 = tpu.memref_slice %arg6[%dma_start3A_307, %dma_start3A_308, %dma_start3A_309] : memref<4x104x128xf32, #tpu.memory_space<vmem>> -> memref<1x26x128xf32, #tpu.memory_space<vmem>>
      %dma_start3A_311 = tpu.memref_squeeze %dma_start3A_310 : memref<1x26x128xf32, #tpu.memory_space<vmem>> -> memref<26x128xf32, #tpu.memory_space<vmem>>
      %dma_start3A_312 = arith.constant 0 : i32
      %dma_start3A_313 = arith.constant 0 : i32
      %dma_start3A_314 = tpu.memref_slice %arg4[%add3A_306, %dma_start3A_312, %dma_start3A_313] : memref<4096x26x128xf32, #tpu.memory_space<hbm>> -> memref<1x26x128xf32, #tpu.memory_space<hbm>>
      %dma_start3A_315 = tpu.memref_squeeze %dma_start3A_314 : memref<1x26x128xf32, #tpu.memory_space<hbm>> -> memref<26x128xf32, #tpu.memory_space<hbm>>
      %dma_start3A_316 = arith.constant 0 : i32
      %dma_start3A_317 = arith.constant 0 : i32
      %dma_start3A_318 = tpu.memref_slice %arg4[%add3A_306, %dma_start3A_316, %dma_start3A_317] : memref<4096x26x128xf32, #tpu.memory_space<hbm>> -> memref<1x26x128xf32, #tpu.memory_space<hbm>>
      %dma_start3A_319 = tpu.memref_squeeze %dma_start3A_318 : memref<1x26x128xf32, #tpu.memory_space<hbm>> -> memref<26x128xf32, #tpu.memory_space<hbm>>
      %dma_start3A_320 = arith.constant 78 : i32
      %dma_start3A_321 = arith.constant 0 : i32
      %dma_start3A_322 = tpu.memref_slice %arg6[%dma_start3A_307, %dma_start3A_320, %dma_start3A_321] : memref<4x104x128xf32, #tpu.memory_space<vmem>> -> memref<1x26x128xf32, #tpu.memory_space<vmem>>
      %dma_start3A_323 = tpu.memref_squeeze %dma_start3A_322 : memref<1x26x128xf32, #tpu.memory_space<vmem>> -> memref<26x128xf32, #tpu.memory_space<vmem>>
      tpu.enqueue_dma source(%dma_start3A_323 : memref<26x128xf32, #tpu.memory_space<vmem>>) target(%dma_start3A_319 : memref<26x128xf32, #tpu.memory_space<hbm>>) target_semaphore(%arg12 : memref<!tpu.dma_semaphore, #tpu.memory_space<semaphore_mem>>)
      %mul3A_324 = arith.constant 4 : i32
      %mul3A_325 = arith.muli %add3A_233, %mul3A_324 : i32
      %add3A_326 = arith.addi %mul3A_2, %mul3A_325 : i32
      %add3A_327 = arith.constant 0 : i32
      %add3A_328 = arith.addi %add3A_326, %add3A_327 : i32
      %dma_wait3A_329 = arith.constant 1 : i32
      %dma_wait3A_330 = arith.constant 0 : i32
      %dma_wait3A_331 = arith.constant 0 : i32
      %dma_wait3A_332 = tpu.memref_slice %arg6[%dma_wait3A_329, %dma_wait3A_330, %dma_wait3A_331] : memref<4x104x128xf32, #tpu.memory_space<vmem>> -> memref<1x26x128xf32, #tpu.memory_space<vmem>>
      %dma_wait3A_333 = tpu.memref_squeeze %dma_wait3A_332 : memref<1x26x128xf32, #tpu.memory_space<vmem>> -> memref<26x128xf32, #tpu.memory_space<vmem>>
      %dma_wait3A_334 = arith.constant 0 : i32
      %dma_wait3A_335 = arith.constant 0 : i32
      %dma_wait3A_336 = tpu.memref_slice %arg4[%add3A_328, %dma_wait3A_334, %dma_wait3A_335] : memref<4096x26x128xf32, #tpu.memory_space<hbm>> -> memref<1x26x128xf32, #tpu.memory_space<hbm>>
      %dma_wait3A_337 = tpu.memref_squeeze %dma_wait3A_336 : memref<1x26x128xf32, #tpu.memory_space<hbm>> -> memref<26x128xf32, #tpu.memory_space<hbm>>
      %dma_wait3A_338 = arith.constant 0 : i32
      %dma_wait3A_339 = arith.constant 0 : i32
      %dma_wait3A_340 = tpu.memref_slice %arg4[%add3A_328, %dma_wait3A_338, %dma_wait3A_339] : memref<4096x26x128xf32, #tpu.memory_space<hbm>> -> memref<1x26x128xf32, #tpu.memory_space<hbm>>
      %dma_wait3A_341 = tpu.memref_squeeze %dma_wait3A_340 : memref<1x26x128xf32, #tpu.memory_space<hbm>> -> memref<26x128xf32, #tpu.memory_space<hbm>>
      %dma_wait3A_342 = arith.constant 0 : i32
      %dma_wait3A_343 = arith.constant 0 : i32
      %dma_wait3A_344 = tpu.memref_slice %arg6[%dma_wait3A_329, %dma_wait3A_342, %dma_wait3A_343] : memref<4x104x128xf32, #tpu.memory_space<vmem>> -> memref<1x26x128xf32, #tpu.memory_space<vmem>>
      %dma_wait3A_345 = tpu.memref_squeeze %dma_wait3A_344 : memref<1x26x128xf32, #tpu.memory_space<vmem>> -> memref<26x128xf32, #tpu.memory_space<vmem>>
      tpu.wait_dma2 semaphore(%arg12 : memref<!tpu.dma_semaphore, #tpu.memory_space<semaphore_mem>>) src(%dma_wait3A_345 : memref<26x128xf32, #tpu.memory_space<vmem>>) dst(%dma_wait3A_341 : memref<26x128xf32, #tpu.memory_space<hbm>>)
      %add3A_346 = arith.constant 1 : i32
      %add3A_347 = arith.addi %add3A_326, %add3A_346 : i32
      %dma_wait3A_348 = arith.constant 1 : i32
      %dma_wait3A_349 = arith.constant 26 : i32
      %dma_wait3A_350 = arith.constant 0 : i32
      %dma_wait3A_351 = tpu.memref_slice %arg6[%dma_wait3A_348, %dma_wait3A_349, %dma_wait3A_350] : memref<4x104x128xf32, #tpu.memory_space<vmem>> -> memref<1x26x128xf32, #tpu.memory_space<vmem>>
      %dma_wait3A_352 = tpu.memref_squeeze %dma_wait3A_351 : memref<1x26x128xf32, #tpu.memory_space<vmem>> -> memref<26x128xf32, #tpu.memory_space<vmem>>
      %dma_wait3A_353 = arith.constant 0 : i32
      %dma_wait3A_354 = arith.constant 0 : i32
      %dma_wait3A_355 = tpu.memref_slice %arg4[%add3A_347, %dma_wait3A_353, %dma_wait3A_354] : memref<4096x26x128xf32, #tpu.memory_space<hbm>> -> memref<1x26x128xf32, #tpu.memory_space<hbm>>
      %dma_wait3A_356 = tpu.memref_squeeze %dma_wait3A_355 : memref<1x26x128xf32, #tpu.memory_space<hbm>> -> memref<26x128xf32, #tpu.memory_space<hbm>>
      %dma_wait3A_357 = arith.constant 0 : i32
      %dma_wait3A_358 = arith.constant 0 : i32
      %dma_wait3A_359 = tpu.memref_slice %arg4[%add3A_347, %dma_wait3A_357, %dma_wait3A_358] : memref<4096x26x128xf32, #tpu.memory_space<hbm>> -> memref<1x26x128xf32, #tpu.memory_space<hbm>>
      %dma_wait3A_360 = tpu.memref_squeeze %dma_wait3A_359 : memref<1x26x128xf32, #tpu.memory_space<hbm>> -> memref<26x128xf32, #tpu.memory_space<hbm>>
      %dma_wait3A_361 = arith.constant 26 : i32
      %dma_wait3A_362 = arith.constant 0 : i32
      %dma_wait3A_363 = tpu.memref_slice %arg6[%dma_wait3A_348, %dma_wait3A_361, %dma_wait3A_362] : memref<4x104x128xf32, #tpu.memory_space<vmem>> -> memref<1x26x128xf32, #tpu.memory_space<vmem>>
      %dma_wait3A_364 = tpu.memref_squeeze %dma_wait3A_363 : memref<1x26x128xf32, #tpu.memory_space<vmem>> -> memref<26x128xf32, #tpu.memory_space<vmem>>
      tpu.wait_dma2 semaphore(%arg12 : memref<!tpu.dma_semaphore, #tpu.memory_space<semaphore_mem>>) src(%dma_wait3A_364 : memref<26x128xf32, #tpu.memory_space<vmem>>) dst(%dma_wait3A_360 : memref<26x128xf32, #tpu.memory_space<hbm>>)
      %add3A_365 = arith.constant 2 : i32
      %add3A_366 = arith.addi %add3A_326, %add3A_365 : i32
      %dma_wait3A_367 = arith.constant 1 : i32
      %dma_wait3A_368 = arith.constant 52 : i32
      %dma_wait3A_369 = arith.constant 0 : i32
      %dma_wait3A_370 = tpu.memref_slice %arg6[%dma_wait3A_367, %dma_wait3A_368, %dma_wait3A_369] : memref<4x104x128xf32, #tpu.memory_space<vmem>> -> memref<1x26x128xf32, #tpu.memory_space<vmem>>
      %dma_wait3A_371 = tpu.memref_squeeze %dma_wait3A_370 : memref<1x26x128xf32, #tpu.memory_space<vmem>> -> memref<26x128xf32, #tpu.memory_space<vmem>>
      %dma_wait3A_372 = arith.constant 0 : i32
      %dma_wait3A_373 = arith.constant 0 : i32
      %dma_wait3A_374 = tpu.memref_slice %arg4[%add3A_366, %dma_wait3A_372, %dma_wait3A_373] : memref<4096x26x128xf32, #tpu.memory_space<hbm>> -> memref<1x26x128xf32, #tpu.memory_space<hbm>>
      %dma_wait3A_375 = tpu.memref_squeeze %dma_wait3A_374 : memref<1x26x128xf32, #tpu.memory_space<hbm>> -> memref<26x128xf32, #tpu.memory_space<hbm>>
      %dma_wait3A_376 = arith.constant 0 : i32
      %dma_wait3A_377 = arith.constant 0 : i32
      %dma_wait3A_378 = tpu.memref_slice %arg4[%add3A_366, %dma_wait3A_376, %dma_wait3A_377] : memref<4096x26x128xf32, #tpu.memory_space<hbm>> -> memref<1x26x128xf32, #tpu.memory_space<hbm>>
      %dma_wait3A_379 = tpu.memref_squeeze %dma_wait3A_378 : memref<1x26x128xf32, #tpu.memory_space<hbm>> -> memref<26x128xf32, #tpu.memory_space<hbm>>
      %dma_wait3A_380 = arith.constant 52 : i32
      %dma_wait3A_381 = arith.constant 0 : i32
      %dma_wait3A_382 = tpu.memref_slice %arg6[%dma_wait3A_367, %dma_wait3A_380, %dma_wait3A_381] : memref<4x104x128xf32, #tpu.memory_space<vmem>> -> memref<1x26x128xf32, #tpu.memory_space<vmem>>
      %dma_wait3A_383 = tpu.memref_squeeze %dma_wait3A_382 : memref<1x26x128xf32, #tpu.memory_space<vmem>> -> memref<26x128xf32, #tpu.memory_space<vmem>>
      tpu.wait_dma2 semaphore(%arg12 : memref<!tpu.dma_semaphore, #tpu.memory_space<semaphore_mem>>) src(%dma_wait3A_383 : memref<26x128xf32, #tpu.memory_space<vmem>>) dst(%dma_wait3A_379 : memref<26x128xf32, #tpu.memory_space<hbm>>)
      %add3A_384 = arith.constant 3 : i32
      %add3A_385 = arith.addi %add3A_326, %add3A_384 : i32
      %dma_wait3A_386 = arith.constant 1 : i32
      %dma_wait3A_387 = arith.constant 78 : i32
      %dma_wait3A_388 = arith.constant 0 : i32
      %dma_wait3A_389 = tpu.memref_slice %arg6[%dma_wait3A_386, %dma_wait3A_387, %dma_wait3A_388] : memref<4x104x128xf32, #tpu.memory_space<vmem>> -> memref<1x26x128xf32, #tpu.memory_space<vmem>>
      %dma_wait3A_390 = tpu.memref_squeeze %dma_wait3A_389 : memref<1x26x128xf32, #tpu.memory_space<vmem>> -> memref<26x128xf32, #tpu.memory_space<vmem>>
      %dma_wait3A_391 = arith.constant 0 : i32
      %dma_wait3A_392 = arith.constant 0 : i32
      %dma_wait3A_393 = tpu.memref_slice %arg4[%add3A_385, %dma_wait3A_391, %dma_wait3A_392] : memref<4096x26x128xf32, #tpu.memory_space<hbm>> -> memref<1x26x128xf32, #tpu.memory_space<hbm>>
      %dma_wait3A_394 = tpu.memref_squeeze %dma_wait3A_393 : memref<1x26x128xf32, #tpu.memory_space<hbm>> -> memref<26x128xf32, #tpu.memory_space<hbm>>
      %dma_wait3A_395 = arith.constant 0 : i32
      %dma_wait3A_396 = arith.constant 0 : i32
      %dma_wait3A_397 = tpu.memref_slice %arg4[%add3A_385, %dma_wait3A_395, %dma_wait3A_396] : memref<4096x26x128xf32, #tpu.memory_space<hbm>> -> memref<1x26x128xf32, #tpu.memory_space<hbm>>
      %dma_wait3A_398 = tpu.memref_squeeze %dma_wait3A_397 : memref<1x26x128xf32, #tpu.memory_space<hbm>> -> memref<26x128xf32, #tpu.memory_space<hbm>>
      %dma_wait3A_399 = arith.constant 78 : i32
      %dma_wait3A_400 = arith.constant 0 : i32
      %dma_wait3A_401 = tpu.memref_slice %arg6[%dma_wait3A_386, %dma_wait3A_399, %dma_wait3A_400] : memref<4x104x128xf32, #tpu.memory_space<vmem>> -> memref<1x26x128xf32, #tpu.memory_space<vmem>>
      %dma_wait3A_402 = tpu.memref_squeeze %dma_wait3A_401 : memref<1x26x128xf32, #tpu.memory_space<vmem>> -> memref<26x128xf32, #tpu.memory_space<vmem>>
      tpu.wait_dma2 semaphore(%arg12 : memref<!tpu.dma_semaphore, #tpu.memory_space<semaphore_mem>>) src(%dma_wait3A_402 : memref<26x128xf32, #tpu.memory_space<vmem>>) dst(%dma_wait3A_398 : memref<26x128xf32, #tpu.memory_space<hbm>>)
      %add3A_403 = arith.constant 4 : i32
      %add3A_404 = arith.addi %add3A_233, %add3A_403 : i32
      %lt3A_405 = arith.constant 32 : i32
      %lt3A_406 = arith.cmpi slt, %add3A_404, %lt3A_405 : i32
      %convert_element_type3A_407 = arith.extui %lt3A_406 : i1 to i32
      %cond3A_408 = arith.constant 0 : i32
      %cond3A_409 = arith.cmpi ne, %convert_element_type3A_407, %cond3A_408 : i32
      scf.if %cond3A_409 {
        %add3A_766 = arith.constant 4 : i32
        %add3A_767 = arith.addi %add3A_233, %add3A_766 : i32
        %dma_start3A_768 = arith.constant 1 : i32
        %dma_start3A_769 = arith.constant 0 : i32
        %dma_start3A_770 = arith.constant 0 : i32
        %dma_start3A_771 = tpu.memref_slice %arg6[%dma_start3A_768, %dma_start3A_769, %dma_start3A_770] : memref<4x104x128xf32, #tpu.memory_space<vmem>> -> memref<1x104x128xf32, #tpu.memory_space<vmem>>
        %dma_start3A_772 = tpu.memref_squeeze %dma_start3A_771 : memref<1x104x128xf32, #tpu.memory_space<vmem>> -> memref<104x128xf32, #tpu.memory_space<vmem>>
        %dma_start3A_773 = arith.constant 0 : i32
        %dma_start3A_774 = tpu.memref_slice %arg5[%add3A_767, %dma_start3A_773] : memref<32x128xi32, #tpu.memory_space<vmem>> -> memref<1x104xi32, #tpu.memory_space<vmem>>
        %dma_start3A_775 = tpu.memref_squeeze %dma_start3A_774 : memref<1x104xi32, #tpu.memory_space<vmem>> -> memref<104xi32, #tpu.memory_space<vmem>>
        %dma_start3A_776 = arith.constant 0 : i32
        %dma_start3A_777 = arith.constant 0 : i32
        %dma_start3A_778 = tpu.memref_slice %arg3[%dma_start3A_776, %dma_start3A_777] : memref<100001x128xf32, #tpu.memory_space<hbm>> -> memref<100001x128xf32, #tpu.memory_space<hbm>>
        tpu.enqueue_indirect_dma source(%dma_start3A_778 : memref<100001x128xf32, #tpu.memory_space<hbm>>) target(%dma_start3A_772 : memref<104x128xf32, #tpu.memory_space<vmem>>) offsets(%dma_start3A_775 : memref<104xi32, #tpu.memory_space<vmem>>) semaphore(%arg8 : memref<!tpu.dma_semaphore, #tpu.memory_space<semaphore_mem>>)
      } else {
      }
      %add3A_410 = arith.constant 2 : i32
      %add3A_411 = arith.addi %mul3A_57, %add3A_410 : i32
      %dma_wait3A_412 = arith.constant 2 : i32
      %dma_wait3A_413 = arith.constant 0 : i32
      %dma_wait3A_414 = arith.constant 0 : i32
      %dma_wait3A_415 = tpu.memref_slice %arg6[%dma_wait3A_412, %dma_wait3A_413, %dma_wait3A_414] : memref<4x104x128xf32, #tpu.memory_space<vmem>> -> memref<1x104x128xf32, #tpu.memory_space<vmem>>
      %dma_wait3A_416 = tpu.memref_squeeze %dma_wait3A_415 : memref<1x104x128xf32, #tpu.memory_space<vmem>> -> memref<104x128xf32, #tpu.memory_space<vmem>>
      %dma_wait3A_417 = arith.constant 0 : i32
      %dma_wait3A_418 = tpu.memref_slice %arg5[%add3A_411, %dma_wait3A_417] : memref<32x128xi32, #tpu.memory_space<vmem>> -> memref<1x104xi32, #tpu.memory_space<vmem>>
      %dma_wait3A_419 = tpu.memref_squeeze %dma_wait3A_418 : memref<1x104xi32, #tpu.memory_space<vmem>> -> memref<104xi32, #tpu.memory_space<vmem>>
      %dma_wait3A_420 = arith.constant 0 : i32
      %dma_wait3A_421 = arith.constant 0 : i32
      %dma_wait3A_422 = tpu.memref_slice %arg3[%dma_wait3A_420, %dma_wait3A_421] : memref<100001x128xf32, #tpu.memory_space<hbm>> -> memref<100001x128xf32, #tpu.memory_space<hbm>>
      tpu.wait_indirect_dma semaphore(%arg9 : memref<!tpu.dma_semaphore, #tpu.memory_space<semaphore_mem>>) src(%dma_wait3A_422 : memref<100001x128xf32, #tpu.memory_space<hbm>>) dst(%dma_wait3A_416 : memref<104x128xf32, #tpu.memory_space<vmem>>)
      %mul3A_423 = arith.constant 4 : i32
      %mul3A_424 = arith.muli %add3A_411, %mul3A_423 : i32
      %add3A_425 = arith.addi %mul3A_2, %mul3A_424 : i32
      %add3A_426 = arith.constant 0 : i32
      %add3A_427 = arith.addi %add3A_425, %add3A_426 : i32
      %dma_start3A_428 = arith.constant 2 : i32
      %dma_start3A_429 = arith.constant 0 : i32
      %dma_start3A_430 = arith.constant 0 : i32
      %dma_start3A_431 = tpu.memref_slice %arg6[%dma_start3A_428, %dma_start3A_429, %dma_start3A_430] : memref<4x104x128xf32, #tpu.memory_space<vmem>> -> memref<1x26x128xf32, #tpu.memory_space<vmem>>
      %dma_start3A_432 = tpu.memref_squeeze %dma_start3A_431 : memref<1x26x128xf32, #tpu.memory_space<vmem>> -> memref<26x128xf32, #tpu.memory_space<vmem>>
      %dma_start3A_433 = arith.constant 0 : i32
      %dma_start3A_434 = arith.constant 0 : i32
      %dma_start3A_435 = tpu.memref_slice %arg4[%add3A_427, %dma_start3A_433, %dma_start3A_434] : memref<4096x26x128xf32, #tpu.memory_space<hbm>> -> memref<1x26x128xf32, #tpu.memory_space<hbm>>
      %dma_start3A_436 = tpu.memref_squeeze %dma_start3A_435 : memref<1x26x128xf32, #tpu.memory_space<hbm>> -> memref<26x128xf32, #tpu.memory_space<hbm>>
      %dma_start3A_437 = arith.constant 0 : i32
      %dma_start3A_438 = arith.constant 0 : i32
      %dma_start3A_439 = tpu.memref_slice %arg4[%add3A_427, %dma_start3A_437, %dma_start3A_438] : memref<4096x26x128xf32, #tpu.memory_space<hbm>> -> memref<1x26x128xf32, #tpu.memory_space<hbm>>
      %dma_start3A_440 = tpu.memref_squeeze %dma_start3A_439 : memref<1x26x128xf32, #tpu.memory_space<hbm>> -> memref<26x128xf32, #tpu.memory_space<hbm>>
      %dma_start3A_441 = arith.constant 0 : i32
      %dma_start3A_442 = arith.constant 0 : i32
      %dma_start3A_443 = tpu.memref_slice %arg6[%dma_start3A_428, %dma_start3A_441, %dma_start3A_442] : memref<4x104x128xf32, #tpu.memory_space<vmem>> -> memref<1x26x128xf32, #tpu.memory_space<vmem>>
      %dma_start3A_444 = tpu.memref_squeeze %dma_start3A_443 : memref<1x26x128xf32, #tpu.memory_space<vmem>> -> memref<26x128xf32, #tpu.memory_space<vmem>>
      tpu.enqueue_dma source(%dma_start3A_444 : memref<26x128xf32, #tpu.memory_space<vmem>>) target(%dma_start3A_440 : memref<26x128xf32, #tpu.memory_space<hbm>>) target_semaphore(%arg13 : memref<!tpu.dma_semaphore, #tpu.memory_space<semaphore_mem>>)
      %add3A_445 = arith.constant 1 : i32
      %add3A_446 = arith.addi %add3A_425, %add3A_445 : i32
      %dma_start3A_447 = arith.constant 2 : i32
      %dma_start3A_448 = arith.constant 26 : i32
      %dma_start3A_449 = arith.constant 0 : i32
      %dma_start3A_450 = tpu.memref_slice %arg6[%dma_start3A_447, %dma_start3A_448, %dma_start3A_449] : memref<4x104x128xf32, #tpu.memory_space<vmem>> -> memref<1x26x128xf32, #tpu.memory_space<vmem>>
      %dma_start3A_451 = tpu.memref_squeeze %dma_start3A_450 : memref<1x26x128xf32, #tpu.memory_space<vmem>> -> memref<26x128xf32, #tpu.memory_space<vmem>>
      %dma_start3A_452 = arith.constant 0 : i32
      %dma_start3A_453 = arith.constant 0 : i32
      %dma_start3A_454 = tpu.memref_slice %arg4[%add3A_446, %dma_start3A_452, %dma_start3A_453] : memref<4096x26x128xf32, #tpu.memory_space<hbm>> -> memref<1x26x128xf32, #tpu.memory_space<hbm>>
      %dma_start3A_455 = tpu.memref_squeeze %dma_start3A_454 : memref<1x26x128xf32, #tpu.memory_space<hbm>> -> memref<26x128xf32, #tpu.memory_space<hbm>>
      %dma_start3A_456 = arith.constant 0 : i32
      %dma_start3A_457 = arith.constant 0 : i32
      %dma_start3A_458 = tpu.memref_slice %arg4[%add3A_446, %dma_start3A_456, %dma_start3A_457] : memref<4096x26x128xf32, #tpu.memory_space<hbm>> -> memref<1x26x128xf32, #tpu.memory_space<hbm>>
      %dma_start3A_459 = tpu.memref_squeeze %dma_start3A_458 : memref<1x26x128xf32, #tpu.memory_space<hbm>> -> memref<26x128xf32, #tpu.memory_space<hbm>>
      %dma_start3A_460 = arith.constant 26 : i32
      %dma_start3A_461 = arith.constant 0 : i32
      %dma_start3A_462 = tpu.memref_slice %arg6[%dma_start3A_447, %dma_start3A_460, %dma_start3A_461] : memref<4x104x128xf32, #tpu.memory_space<vmem>> -> memref<1x26x128xf32, #tpu.memory_space<vmem>>
      %dma_start3A_463 = tpu.memref_squeeze %dma_start3A_462 : memref<1x26x128xf32, #tpu.memory_space<vmem>> -> memref<26x128xf32, #tpu.memory_space<vmem>>
      tpu.enqueue_dma source(%dma_start3A_463 : memref<26x128xf32, #tpu.memory_space<vmem>>) target(%dma_start3A_459 : memref<26x128xf32, #tpu.memory_space<hbm>>) target_semaphore(%arg13 : memref<!tpu.dma_semaphore, #tpu.memory_space<semaphore_mem>>)
      %add3A_464 = arith.constant 2 : i32
      %add3A_465 = arith.addi %add3A_425, %add3A_464 : i32
      %dma_start3A_466 = arith.constant 2 : i32
      %dma_start3A_467 = arith.constant 52 : i32
      %dma_start3A_468 = arith.constant 0 : i32
      %dma_start3A_469 = tpu.memref_slice %arg6[%dma_start3A_466, %dma_start3A_467, %dma_start3A_468] : memref<4x104x128xf32, #tpu.memory_space<vmem>> -> memref<1x26x128xf32, #tpu.memory_space<vmem>>
      %dma_start3A_470 = tpu.memref_squeeze %dma_start3A_469 : memref<1x26x128xf32, #tpu.memory_space<vmem>> -> memref<26x128xf32, #tpu.memory_space<vmem>>
      %dma_start3A_471 = arith.constant 0 : i32
      %dma_start3A_472 = arith.constant 0 : i32
      %dma_start3A_473 = tpu.memref_slice %arg4[%add3A_465, %dma_start3A_471, %dma_start3A_472] : memref<4096x26x128xf32, #tpu.memory_space<hbm>> -> memref<1x26x128xf32, #tpu.memory_space<hbm>>
      %dma_start3A_474 = tpu.memref_squeeze %dma_start3A_473 : memref<1x26x128xf32, #tpu.memory_space<hbm>> -> memref<26x128xf32, #tpu.memory_space<hbm>>
      %dma_start3A_475 = arith.constant 0 : i32
      %dma_start3A_476 = arith.constant 0 : i32
      %dma_start3A_477 = tpu.memref_slice %arg4[%add3A_465, %dma_start3A_475, %dma_start3A_476] : memref<4096x26x128xf32, #tpu.memory_space<hbm>> -> memref<1x26x128xf32, #tpu.memory_space<hbm>>
      %dma_start3A_478 = tpu.memref_squeeze %dma_start3A_477 : memref<1x26x128xf32, #tpu.memory_space<hbm>> -> memref<26x128xf32, #tpu.memory_space<hbm>>
      %dma_start3A_479 = arith.constant 52 : i32
      %dma_start3A_480 = arith.constant 0 : i32
      %dma_start3A_481 = tpu.memref_slice %arg6[%dma_start3A_466, %dma_start3A_479, %dma_start3A_480] : memref<4x104x128xf32, #tpu.memory_space<vmem>> -> memref<1x26x128xf32, #tpu.memory_space<vmem>>
      %dma_start3A_482 = tpu.memref_squeeze %dma_start3A_481 : memref<1x26x128xf32, #tpu.memory_space<vmem>> -> memref<26x128xf32, #tpu.memory_space<vmem>>
      tpu.enqueue_dma source(%dma_start3A_482 : memref<26x128xf32, #tpu.memory_space<vmem>>) target(%dma_start3A_478 : memref<26x128xf32, #tpu.memory_space<hbm>>) target_semaphore(%arg13 : memref<!tpu.dma_semaphore, #tpu.memory_space<semaphore_mem>>)
      %add3A_483 = arith.constant 3 : i32
      %add3A_484 = arith.addi %add3A_425, %add3A_483 : i32
      %dma_start3A_485 = arith.constant 2 : i32
      %dma_start3A_486 = arith.constant 78 : i32
      %dma_start3A_487 = arith.constant 0 : i32
      %dma_start3A_488 = tpu.memref_slice %arg6[%dma_start3A_485, %dma_start3A_486, %dma_start3A_487] : memref<4x104x128xf32, #tpu.memory_space<vmem>> -> memref<1x26x128xf32, #tpu.memory_space<vmem>>
      %dma_start3A_489 = tpu.memref_squeeze %dma_start3A_488 : memref<1x26x128xf32, #tpu.memory_space<vmem>> -> memref<26x128xf32, #tpu.memory_space<vmem>>
      %dma_start3A_490 = arith.constant 0 : i32
      %dma_start3A_491 = arith.constant 0 : i32
      %dma_start3A_492 = tpu.memref_slice %arg4[%add3A_484, %dma_start3A_490, %dma_start3A_491] : memref<4096x26x128xf32, #tpu.memory_space<hbm>> -> memref<1x26x128xf32, #tpu.memory_space<hbm>>
      %dma_start3A_493 = tpu.memref_squeeze %dma_start3A_492 : memref<1x26x128xf32, #tpu.memory_space<hbm>> -> memref<26x128xf32, #tpu.memory_space<hbm>>
      %dma_start3A_494 = arith.constant 0 : i32
      %dma_start3A_495 = arith.constant 0 : i32
      %dma_start3A_496 = tpu.memref_slice %arg4[%add3A_484, %dma_start3A_494, %dma_start3A_495] : memref<4096x26x128xf32, #tpu.memory_space<hbm>> -> memref<1x26x128xf32, #tpu.memory_space<hbm>>
      %dma_start3A_497 = tpu.memref_squeeze %dma_start3A_496 : memref<1x26x128xf32, #tpu.memory_space<hbm>> -> memref<26x128xf32, #tpu.memory_space<hbm>>
      %dma_start3A_498 = arith.constant 78 : i32
      %dma_start3A_499 = arith.constant 0 : i32
      %dma_start3A_500 = tpu.memref_slice %arg6[%dma_start3A_485, %dma_start3A_498, %dma_start3A_499] : memref<4x104x128xf32, #tpu.memory_space<vmem>> -> memref<1x26x128xf32, #tpu.memory_space<vmem>>
      %dma_start3A_501 = tpu.memref_squeeze %dma_start3A_500 : memref<1x26x128xf32, #tpu.memory_space<vmem>> -> memref<26x128xf32, #tpu.memory_space<vmem>>
      tpu.enqueue_dma source(%dma_start3A_501 : memref<26x128xf32, #tpu.memory_space<vmem>>) target(%dma_start3A_497 : memref<26x128xf32, #tpu.memory_space<hbm>>) target_semaphore(%arg13 : memref<!tpu.dma_semaphore, #tpu.memory_space<semaphore_mem>>)
      %mul3A_502 = arith.constant 4 : i32
      %mul3A_503 = arith.muli %add3A_411, %mul3A_502 : i32
      %add3A_504 = arith.addi %mul3A_2, %mul3A_503 : i32
      %add3A_505 = arith.constant 0 : i32
      %add3A_506 = arith.addi %add3A_504, %add3A_505 : i32
      %dma_wait3A_507 = arith.constant 2 : i32
      %dma_wait3A_508 = arith.constant 0 : i32
      %dma_wait3A_509 = arith.constant 0 : i32
      %dma_wait3A_510 = tpu.memref_slice %arg6[%dma_wait3A_507, %dma_wait3A_508, %dma_wait3A_509] : memref<4x104x128xf32, #tpu.memory_space<vmem>> -> memref<1x26x128xf32, #tpu.memory_space<vmem>>
      %dma_wait3A_511 = tpu.memref_squeeze %dma_wait3A_510 : memref<1x26x128xf32, #tpu.memory_space<vmem>> -> memref<26x128xf32, #tpu.memory_space<vmem>>
      %dma_wait3A_512 = arith.constant 0 : i32
      %dma_wait3A_513 = arith.constant 0 : i32
      %dma_wait3A_514 = tpu.memref_slice %arg4[%add3A_506, %dma_wait3A_512, %dma_wait3A_513] : memref<4096x26x128xf32, #tpu.memory_space<hbm>> -> memref<1x26x128xf32, #tpu.memory_space<hbm>>
      %dma_wait3A_515 = tpu.memref_squeeze %dma_wait3A_514 : memref<1x26x128xf32, #tpu.memory_space<hbm>> -> memref<26x128xf32, #tpu.memory_space<hbm>>
      %dma_wait3A_516 = arith.constant 0 : i32
      %dma_wait3A_517 = arith.constant 0 : i32
      %dma_wait3A_518 = tpu.memref_slice %arg4[%add3A_506, %dma_wait3A_516, %dma_wait3A_517] : memref<4096x26x128xf32, #tpu.memory_space<hbm>> -> memref<1x26x128xf32, #tpu.memory_space<hbm>>
      %dma_wait3A_519 = tpu.memref_squeeze %dma_wait3A_518 : memref<1x26x128xf32, #tpu.memory_space<hbm>> -> memref<26x128xf32, #tpu.memory_space<hbm>>
      %dma_wait3A_520 = arith.constant 0 : i32
      %dma_wait3A_521 = arith.constant 0 : i32
      %dma_wait3A_522 = tpu.memref_slice %arg6[%dma_wait3A_507, %dma_wait3A_520, %dma_wait3A_521] : memref<4x104x128xf32, #tpu.memory_space<vmem>> -> memref<1x26x128xf32, #tpu.memory_space<vmem>>
      %dma_wait3A_523 = tpu.memref_squeeze %dma_wait3A_522 : memref<1x26x128xf32, #tpu.memory_space<vmem>> -> memref<26x128xf32, #tpu.memory_space<vmem>>
      tpu.wait_dma2 semaphore(%arg13 : memref<!tpu.dma_semaphore, #tpu.memory_space<semaphore_mem>>) src(%dma_wait3A_523 : memref<26x128xf32, #tpu.memory_space<vmem>>) dst(%dma_wait3A_519 : memref<26x128xf32, #tpu.memory_space<hbm>>)
      %add3A_524 = arith.constant 1 : i32
      %add3A_525 = arith.addi %add3A_504, %add3A_524 : i32
      %dma_wait3A_526 = arith.constant 2 : i32
      %dma_wait3A_527 = arith.constant 26 : i32
      %dma_wait3A_528 = arith.constant 0 : i32
      %dma_wait3A_529 = tpu.memref_slice %arg6[%dma_wait3A_526, %dma_wait3A_527, %dma_wait3A_528] : memref<4x104x128xf32, #tpu.memory_space<vmem>> -> memref<1x26x128xf32, #tpu.memory_space<vmem>>
      %dma_wait3A_530 = tpu.memref_squeeze %dma_wait3A_529 : memref<1x26x128xf32, #tpu.memory_space<vmem>> -> memref<26x128xf32, #tpu.memory_space<vmem>>
      %dma_wait3A_531 = arith.constant 0 : i32
      %dma_wait3A_532 = arith.constant 0 : i32
      %dma_wait3A_533 = tpu.memref_slice %arg4[%add3A_525, %dma_wait3A_531, %dma_wait3A_532] : memref<4096x26x128xf32, #tpu.memory_space<hbm>> -> memref<1x26x128xf32, #tpu.memory_space<hbm>>
      %dma_wait3A_534 = tpu.memref_squeeze %dma_wait3A_533 : memref<1x26x128xf32, #tpu.memory_space<hbm>> -> memref<26x128xf32, #tpu.memory_space<hbm>>
      %dma_wait3A_535 = arith.constant 0 : i32
      %dma_wait3A_536 = arith.constant 0 : i32
      %dma_wait3A_537 = tpu.memref_slice %arg4[%add3A_525, %dma_wait3A_535, %dma_wait3A_536] : memref<4096x26x128xf32, #tpu.memory_space<hbm>> -> memref<1x26x128xf32, #tpu.memory_space<hbm>>
      %dma_wait3A_538 = tpu.memref_squeeze %dma_wait3A_537 : memref<1x26x128xf32, #tpu.memory_space<hbm>> -> memref<26x128xf32, #tpu.memory_space<hbm>>
      %dma_wait3A_539 = arith.constant 26 : i32
      %dma_wait3A_540 = arith.constant 0 : i32
      %dma_wait3A_541 = tpu.memref_slice %arg6[%dma_wait3A_526, %dma_wait3A_539, %dma_wait3A_540] : memref<4x104x128xf32, #tpu.memory_space<vmem>> -> memref<1x26x128xf32, #tpu.memory_space<vmem>>
      %dma_wait3A_542 = tpu.memref_squeeze %dma_wait3A_541 : memref<1x26x128xf32, #tpu.memory_space<vmem>> -> memref<26x128xf32, #tpu.memory_space<vmem>>
      tpu.wait_dma2 semaphore(%arg13 : memref<!tpu.dma_semaphore, #tpu.memory_space<semaphore_mem>>) src(%dma_wait3A_542 : memref<26x128xf32, #tpu.memory_space<vmem>>) dst(%dma_wait3A_538 : memref<26x128xf32, #tpu.memory_space<hbm>>)
      %add3A_543 = arith.constant 2 : i32
      %add3A_544 = arith.addi %add3A_504, %add3A_543 : i32
      %dma_wait3A_545 = arith.constant 2 : i32
      %dma_wait3A_546 = arith.constant 52 : i32
      %dma_wait3A_547 = arith.constant 0 : i32
      %dma_wait3A_548 = tpu.memref_slice %arg6[%dma_wait3A_545, %dma_wait3A_546, %dma_wait3A_547] : memref<4x104x128xf32, #tpu.memory_space<vmem>> -> memref<1x26x128xf32, #tpu.memory_space<vmem>>
      %dma_wait3A_549 = tpu.memref_squeeze %dma_wait3A_548 : memref<1x26x128xf32, #tpu.memory_space<vmem>> -> memref<26x128xf32, #tpu.memory_space<vmem>>
      %dma_wait3A_550 = arith.constant 0 : i32
      %dma_wait3A_551 = arith.constant 0 : i32
      %dma_wait3A_552 = tpu.memref_slice %arg4[%add3A_544, %dma_wait3A_550, %dma_wait3A_551] : memref<4096x26x128xf32, #tpu.memory_space<hbm>> -> memref<1x26x128xf32, #tpu.memory_space<hbm>>
      %dma_wait3A_553 = tpu.memref_squeeze %dma_wait3A_552 : memref<1x26x128xf32, #tpu.memory_space<hbm>> -> memref<26x128xf32, #tpu.memory_space<hbm>>
      %dma_wait3A_554 = arith.constant 0 : i32
      %dma_wait3A_555 = arith.constant 0 : i32
      %dma_wait3A_556 = tpu.memref_slice %arg4[%add3A_544, %dma_wait3A_554, %dma_wait3A_555] : memref<4096x26x128xf32, #tpu.memory_space<hbm>> -> memref<1x26x128xf32, #tpu.memory_space<hbm>>
      %dma_wait3A_557 = tpu.memref_squeeze %dma_wait3A_556 : memref<1x26x128xf32, #tpu.memory_space<hbm>> -> memref<26x128xf32, #tpu.memory_space<hbm>>
      %dma_wait3A_558 = arith.constant 52 : i32
      %dma_wait3A_559 = arith.constant 0 : i32
      %dma_wait3A_560 = tpu.memref_slice %arg6[%dma_wait3A_545, %dma_wait3A_558, %dma_wait3A_559] : memref<4x104x128xf32, #tpu.memory_space<vmem>> -> memref<1x26x128xf32, #tpu.memory_space<vmem>>
      %dma_wait3A_561 = tpu.memref_squeeze %dma_wait3A_560 : memref<1x26x128xf32, #tpu.memory_space<vmem>> -> memref<26x128xf32, #tpu.memory_space<vmem>>
      tpu.wait_dma2 semaphore(%arg13 : memref<!tpu.dma_semaphore, #tpu.memory_space<semaphore_mem>>) src(%dma_wait3A_561 : memref<26x128xf32, #tpu.memory_space<vmem>>) dst(%dma_wait3A_557 : memref<26x128xf32, #tpu.memory_space<hbm>>)
      %add3A_562 = arith.constant 3 : i32
      %add3A_563 = arith.addi %add3A_504, %add3A_562 : i32
      %dma_wait3A_564 = arith.constant 2 : i32
      %dma_wait3A_565 = arith.constant 78 : i32
      %dma_wait3A_566 = arith.constant 0 : i32
      %dma_wait3A_567 = tpu.memref_slice %arg6[%dma_wait3A_564, %dma_wait3A_565, %dma_wait3A_566] : memref<4x104x128xf32, #tpu.memory_space<vmem>> -> memref<1x26x128xf32, #tpu.memory_space<vmem>>
      %dma_wait3A_568 = tpu.memref_squeeze %dma_wait3A_567 : memref<1x26x128xf32, #tpu.memory_space<vmem>> -> memref<26x128xf32, #tpu.memory_space<vmem>>
      %dma_wait3A_569 = arith.constant 0 : i32
      %dma_wait3A_570 = arith.constant 0 : i32
      %dma_wait3A_571 = tpu.memref_slice %arg4[%add3A_563, %dma_wait3A_569, %dma_wait3A_570] : memref<4096x26x128xf32, #tpu.memory_space<hbm>> -> memref<1x26x128xf32, #tpu.memory_space<hbm>>
      %dma_wait3A_572 = tpu.memref_squeeze %dma_wait3A_571 : memref<1x26x128xf32, #tpu.memory_space<hbm>> -> memref<26x128xf32, #tpu.memory_space<hbm>>
      %dma_wait3A_573 = arith.constant 0 : i32
      %dma_wait3A_574 = arith.constant 0 : i32
      %dma_wait3A_575 = tpu.memref_slice %arg4[%add3A_563, %dma_wait3A_573, %dma_wait3A_574] : memref<4096x26x128xf32, #tpu.memory_space<hbm>> -> memref<1x26x128xf32, #tpu.memory_space<hbm>>
      %dma_wait3A_576 = tpu.memref_squeeze %dma_wait3A_575 : memref<1x26x128xf32, #tpu.memory_space<hbm>> -> memref<26x128xf32, #tpu.memory_space<hbm>>
      %dma_wait3A_577 = arith.constant 78 : i32
      %dma_wait3A_578 = arith.constant 0 : i32
      %dma_wait3A_579 = tpu.memref_slice %arg6[%dma_wait3A_564, %dma_wait3A_577, %dma_wait3A_578] : memref<4x104x128xf32, #tpu.memory_space<vmem>> -> memref<1x26x128xf32, #tpu.memory_space<vmem>>
      %dma_wait3A_580 = tpu.memref_squeeze %dma_wait3A_579 : memref<1x26x128xf32, #tpu.memory_space<vmem>> -> memref<26x128xf32, #tpu.memory_space<vmem>>
      tpu.wait_dma2 semaphore(%arg13 : memref<!tpu.dma_semaphore, #tpu.memory_space<semaphore_mem>>) src(%dma_wait3A_580 : memref<26x128xf32, #tpu.memory_space<vmem>>) dst(%dma_wait3A_576 : memref<26x128xf32, #tpu.memory_space<hbm>>)
      %add3A_581 = arith.constant 4 : i32
      %add3A_582 = arith.addi %add3A_411, %add3A_581 : i32
      %lt3A_583 = arith.constant 32 : i32
      %lt3A_584 = arith.cmpi slt, %add3A_582, %lt3A_583 : i32
      %convert_element_type3A_585 = arith.extui %lt3A_584 : i1 to i32
      %cond3A_586 = arith.constant 0 : i32
      %cond3A_587 = arith.cmpi ne, %convert_element_type3A_585, %cond3A_586 : i32
      scf.if %cond3A_587 {
        %add3A_766 = arith.constant 4 : i32
        %add3A_767 = arith.addi %add3A_411, %add3A_766 : i32
        %dma_start3A_768 = arith.constant 2 : i32
        %dma_start3A_769 = arith.constant 0 : i32
        %dma_start3A_770 = arith.constant 0 : i32
        %dma_start3A_771 = tpu.memref_slice %arg6[%dma_start3A_768, %dma_start3A_769, %dma_start3A_770] : memref<4x104x128xf32, #tpu.memory_space<vmem>> -> memref<1x104x128xf32, #tpu.memory_space<vmem>>
        %dma_start3A_772 = tpu.memref_squeeze %dma_start3A_771 : memref<1x104x128xf32, #tpu.memory_space<vmem>> -> memref<104x128xf32, #tpu.memory_space<vmem>>
        %dma_start3A_773 = arith.constant 0 : i32
        %dma_start3A_774 = tpu.memref_slice %arg5[%add3A_767, %dma_start3A_773] : memref<32x128xi32, #tpu.memory_space<vmem>> -> memref<1x104xi32, #tpu.memory_space<vmem>>
        %dma_start3A_775 = tpu.memref_squeeze %dma_start3A_774 : memref<1x104xi32, #tpu.memory_space<vmem>> -> memref<104xi32, #tpu.memory_space<vmem>>
        %dma_start3A_776 = arith.constant 0 : i32
        %dma_start3A_777 = arith.constant 0 : i32
        %dma_start3A_778 = tpu.memref_slice %arg3[%dma_start3A_776, %dma_start3A_777] : memref<100001x128xf32, #tpu.memory_space<hbm>> -> memref<100001x128xf32, #tpu.memory_space<hbm>>
        tpu.enqueue_indirect_dma source(%dma_start3A_778 : memref<100001x128xf32, #tpu.memory_space<hbm>>) target(%dma_start3A_772 : memref<104x128xf32, #tpu.memory_space<vmem>>) offsets(%dma_start3A_775 : memref<104xi32, #tpu.memory_space<vmem>>) semaphore(%arg9 : memref<!tpu.dma_semaphore, #tpu.memory_space<semaphore_mem>>)
      } else {
      }
      %add3A_588 = arith.constant 3 : i32
      %add3A_589 = arith.addi %mul3A_57, %add3A_588 : i32
      %dma_wait3A_590 = arith.constant 3 : i32
      %dma_wait3A_591 = arith.constant 0 : i32
      %dma_wait3A_592 = arith.constant 0 : i32
      %dma_wait3A_593 = tpu.memref_slice %arg6[%dma_wait3A_590, %dma_wait3A_591, %dma_wait3A_592] : memref<4x104x128xf32, #tpu.memory_space<vmem>> -> memref<1x104x128xf32, #tpu.memory_space<vmem>>
      %dma_wait3A_594 = tpu.memref_squeeze %dma_wait3A_593 : memref<1x104x128xf32, #tpu.memory_space<vmem>> -> memref<104x128xf32, #tpu.memory_space<vmem>>
      %dma_wait3A_595 = arith.constant 0 : i32
      %dma_wait3A_596 = tpu.memref_slice %arg5[%add3A_589, %dma_wait3A_595] : memref<32x128xi32, #tpu.memory_space<vmem>> -> memref<1x104xi32, #tpu.memory_space<vmem>>
      %dma_wait3A_597 = tpu.memref_squeeze %dma_wait3A_596 : memref<1x104xi32, #tpu.memory_space<vmem>> -> memref<104xi32, #tpu.memory_space<vmem>>
      %dma_wait3A_598 = arith.constant 0 : i32
      %dma_wait3A_599 = arith.constant 0 : i32
      %dma_wait3A_600 = tpu.memref_slice %arg3[%dma_wait3A_598, %dma_wait3A_599] : memref<100001x128xf32, #tpu.memory_space<hbm>> -> memref<100001x128xf32, #tpu.memory_space<hbm>>
      tpu.wait_indirect_dma semaphore(%arg10 : memref<!tpu.dma_semaphore, #tpu.memory_space<semaphore_mem>>) src(%dma_wait3A_600 : memref<100001x128xf32, #tpu.memory_space<hbm>>) dst(%dma_wait3A_594 : memref<104x128xf32, #tpu.memory_space<vmem>>)
      %mul3A_601 = arith.constant 4 : i32
      %mul3A_602 = arith.muli %add3A_589, %mul3A_601 : i32
      %add3A_603 = arith.addi %mul3A_2, %mul3A_602 : i32
      %add3A_604 = arith.constant 0 : i32
      %add3A_605 = arith.addi %add3A_603, %add3A_604 : i32
      %dma_start3A_606 = arith.constant 3 : i32
      %dma_start3A_607 = arith.constant 0 : i32
      %dma_start3A_608 = arith.constant 0 : i32
      %dma_start3A_609 = tpu.memref_slice %arg6[%dma_start3A_606, %dma_start3A_607, %dma_start3A_608] : memref<4x104x128xf32, #tpu.memory_space<vmem>> -> memref<1x26x128xf32, #tpu.memory_space<vmem>>
      %dma_start3A_610 = tpu.memref_squeeze %dma_start3A_609 : memref<1x26x128xf32, #tpu.memory_space<vmem>> -> memref<26x128xf32, #tpu.memory_space<vmem>>
      %dma_start3A_611 = arith.constant 0 : i32
      %dma_start3A_612 = arith.constant 0 : i32
      %dma_start3A_613 = tpu.memref_slice %arg4[%add3A_605, %dma_start3A_611, %dma_start3A_612] : memref<4096x26x128xf32, #tpu.memory_space<hbm>> -> memref<1x26x128xf32, #tpu.memory_space<hbm>>
      %dma_start3A_614 = tpu.memref_squeeze %dma_start3A_613 : memref<1x26x128xf32, #tpu.memory_space<hbm>> -> memref<26x128xf32, #tpu.memory_space<hbm>>
      %dma_start3A_615 = arith.constant 0 : i32
      %dma_start3A_616 = arith.constant 0 : i32
      %dma_start3A_617 = tpu.memref_slice %arg4[%add3A_605, %dma_start3A_615, %dma_start3A_616] : memref<4096x26x128xf32, #tpu.memory_space<hbm>> -> memref<1x26x128xf32, #tpu.memory_space<hbm>>
      %dma_start3A_618 = tpu.memref_squeeze %dma_start3A_617 : memref<1x26x128xf32, #tpu.memory_space<hbm>> -> memref<26x128xf32, #tpu.memory_space<hbm>>
      %dma_start3A_619 = arith.constant 0 : i32
      %dma_start3A_620 = arith.constant 0 : i32
      %dma_start3A_621 = tpu.memref_slice %arg6[%dma_start3A_606, %dma_start3A_619, %dma_start3A_620] : memref<4x104x128xf32, #tpu.memory_space<vmem>> -> memref<1x26x128xf32, #tpu.memory_space<vmem>>
      %dma_start3A_622 = tpu.memref_squeeze %dma_start3A_621 : memref<1x26x128xf32, #tpu.memory_space<vmem>> -> memref<26x128xf32, #tpu.memory_space<vmem>>
      tpu.enqueue_dma source(%dma_start3A_622 : memref<26x128xf32, #tpu.memory_space<vmem>>) target(%dma_start3A_618 : memref<26x128xf32, #tpu.memory_space<hbm>>) target_semaphore(%arg14 : memref<!tpu.dma_semaphore, #tpu.memory_space<semaphore_mem>>)
      %add3A_623 = arith.constant 1 : i32
      %add3A_624 = arith.addi %add3A_603, %add3A_623 : i32
      %dma_start3A_625 = arith.constant 3 : i32
      %dma_start3A_626 = arith.constant 26 : i32
      %dma_start3A_627 = arith.constant 0 : i32
      %dma_start3A_628 = tpu.memref_slice %arg6[%dma_start3A_625, %dma_start3A_626, %dma_start3A_627] : memref<4x104x128xf32, #tpu.memory_space<vmem>> -> memref<1x26x128xf32, #tpu.memory_space<vmem>>
      %dma_start3A_629 = tpu.memref_squeeze %dma_start3A_628 : memref<1x26x128xf32, #tpu.memory_space<vmem>> -> memref<26x128xf32, #tpu.memory_space<vmem>>
      %dma_start3A_630 = arith.constant 0 : i32
      %dma_start3A_631 = arith.constant 0 : i32
      %dma_start3A_632 = tpu.memref_slice %arg4[%add3A_624, %dma_start3A_630, %dma_start3A_631] : memref<4096x26x128xf32, #tpu.memory_space<hbm>> -> memref<1x26x128xf32, #tpu.memory_space<hbm>>
      %dma_start3A_633 = tpu.memref_squeeze %dma_start3A_632 : memref<1x26x128xf32, #tpu.memory_space<hbm>> -> memref<26x128xf32, #tpu.memory_space<hbm>>
      %dma_start3A_634 = arith.constant 0 : i32
      %dma_start3A_635 = arith.constant 0 : i32
      %dma_start3A_636 = tpu.memref_slice %arg4[%add3A_624, %dma_start3A_634, %dma_start3A_635] : memref<4096x26x128xf32, #tpu.memory_space<hbm>> -> memref<1x26x128xf32, #tpu.memory_space<hbm>>
      %dma_start3A_637 = tpu.memref_squeeze %dma_start3A_636 : memref<1x26x128xf32, #tpu.memory_space<hbm>> -> memref<26x128xf32, #tpu.memory_space<hbm>>
      %dma_start3A_638 = arith.constant 26 : i32
      %dma_start3A_639 = arith.constant 0 : i32
      %dma_start3A_640 = tpu.memref_slice %arg6[%dma_start3A_625, %dma_start3A_638, %dma_start3A_639] : memref<4x104x128xf32, #tpu.memory_space<vmem>> -> memref<1x26x128xf32, #tpu.memory_space<vmem>>
      %dma_start3A_641 = tpu.memref_squeeze %dma_start3A_640 : memref<1x26x128xf32, #tpu.memory_space<vmem>> -> memref<26x128xf32, #tpu.memory_space<vmem>>
      tpu.enqueue_dma source(%dma_start3A_641 : memref<26x128xf32, #tpu.memory_space<vmem>>) target(%dma_start3A_637 : memref<26x128xf32, #tpu.memory_space<hbm>>) target_semaphore(%arg14 : memref<!tpu.dma_semaphore, #tpu.memory_space<semaphore_mem>>)
      %add3A_642 = arith.constant 2 : i32
      %add3A_643 = arith.addi %add3A_603, %add3A_642 : i32
      %dma_start3A_644 = arith.constant 3 : i32
      %dma_start3A_645 = arith.constant 52 : i32
      %dma_start3A_646 = arith.constant 0 : i32
      %dma_start3A_647 = tpu.memref_slice %arg6[%dma_start3A_644, %dma_start3A_645, %dma_start3A_646] : memref<4x104x128xf32, #tpu.memory_space<vmem>> -> memref<1x26x128xf32, #tpu.memory_space<vmem>>
      %dma_start3A_648 = tpu.memref_squeeze %dma_start3A_647 : memref<1x26x128xf32, #tpu.memory_space<vmem>> -> memref<26x128xf32, #tpu.memory_space<vmem>>
      %dma_start3A_649 = arith.constant 0 : i32
      %dma_start3A_650 = arith.constant 0 : i32
      %dma_start3A_651 = tpu.memref_slice %arg4[%add3A_643, %dma_start3A_649, %dma_start3A_650] : memref<4096x26x128xf32, #tpu.memory_space<hbm>> -> memref<1x26x128xf32, #tpu.memory_space<hbm>>
      %dma_start3A_652 = tpu.memref_squeeze %dma_start3A_651 : memref<1x26x128xf32, #tpu.memory_space<hbm>> -> memref<26x128xf32, #tpu.memory_space<hbm>>
      %dma_start3A_653 = arith.constant 0 : i32
      %dma_start3A_654 = arith.constant 0 : i32
      %dma_start3A_655 = tpu.memref_slice %arg4[%add3A_643, %dma_start3A_653, %dma_start3A_654] : memref<4096x26x128xf32, #tpu.memory_space<hbm>> -> memref<1x26x128xf32, #tpu.memory_space<hbm>>
      %dma_start3A_656 = tpu.memref_squeeze %dma_start3A_655 : memref<1x26x128xf32, #tpu.memory_space<hbm>> -> memref<26x128xf32, #tpu.memory_space<hbm>>
      %dma_start3A_657 = arith.constant 52 : i32
      %dma_start3A_658 = arith.constant 0 : i32
      %dma_start3A_659 = tpu.memref_slice %arg6[%dma_start3A_644, %dma_start3A_657, %dma_start3A_658] : memref<4x104x128xf32, #tpu.memory_space<vmem>> -> memref<1x26x128xf32, #tpu.memory_space<vmem>>
      %dma_start3A_660 = tpu.memref_squeeze %dma_start3A_659 : memref<1x26x128xf32, #tpu.memory_space<vmem>> -> memref<26x128xf32, #tpu.memory_space<vmem>>
      tpu.enqueue_dma source(%dma_start3A_660 : memref<26x128xf32, #tpu.memory_space<vmem>>) target(%dma_start3A_656 : memref<26x128xf32, #tpu.memory_space<hbm>>) target_semaphore(%arg14 : memref<!tpu.dma_semaphore, #tpu.memory_space<semaphore_mem>>)
      %add3A_661 = arith.constant 3 : i32
      %add3A_662 = arith.addi %add3A_603, %add3A_661 : i32
      %dma_start3A_663 = arith.constant 3 : i32
      %dma_start3A_664 = arith.constant 78 : i32
      %dma_start3A_665 = arith.constant 0 : i32
      %dma_start3A_666 = tpu.memref_slice %arg6[%dma_start3A_663, %dma_start3A_664, %dma_start3A_665] : memref<4x104x128xf32, #tpu.memory_space<vmem>> -> memref<1x26x128xf32, #tpu.memory_space<vmem>>
      %dma_start3A_667 = tpu.memref_squeeze %dma_start3A_666 : memref<1x26x128xf32, #tpu.memory_space<vmem>> -> memref<26x128xf32, #tpu.memory_space<vmem>>
      %dma_start3A_668 = arith.constant 0 : i32
      %dma_start3A_669 = arith.constant 0 : i32
      %dma_start3A_670 = tpu.memref_slice %arg4[%add3A_662, %dma_start3A_668, %dma_start3A_669] : memref<4096x26x128xf32, #tpu.memory_space<hbm>> -> memref<1x26x128xf32, #tpu.memory_space<hbm>>
      %dma_start3A_671 = tpu.memref_squeeze %dma_start3A_670 : memref<1x26x128xf32, #tpu.memory_space<hbm>> -> memref<26x128xf32, #tpu.memory_space<hbm>>
      %dma_start3A_672 = arith.constant 0 : i32
      %dma_start3A_673 = arith.constant 0 : i32
      %dma_start3A_674 = tpu.memref_slice %arg4[%add3A_662, %dma_start3A_672, %dma_start3A_673] : memref<4096x26x128xf32, #tpu.memory_space<hbm>> -> memref<1x26x128xf32, #tpu.memory_space<hbm>>
      %dma_start3A_675 = tpu.memref_squeeze %dma_start3A_674 : memref<1x26x128xf32, #tpu.memory_space<hbm>> -> memref<26x128xf32, #tpu.memory_space<hbm>>
      %dma_start3A_676 = arith.constant 78 : i32
      %dma_start3A_677 = arith.constant 0 : i32
      %dma_start3A_678 = tpu.memref_slice %arg6[%dma_start3A_663, %dma_start3A_676, %dma_start3A_677] : memref<4x104x128xf32, #tpu.memory_space<vmem>> -> memref<1x26x128xf32, #tpu.memory_space<vmem>>
      %dma_start3A_679 = tpu.memref_squeeze %dma_start3A_678 : memref<1x26x128xf32, #tpu.memory_space<vmem>> -> memref<26x128xf32, #tpu.memory_space<vmem>>
      tpu.enqueue_dma source(%dma_start3A_679 : memref<26x128xf32, #tpu.memory_space<vmem>>) target(%dma_start3A_675 : memref<26x128xf32, #tpu.memory_space<hbm>>) target_semaphore(%arg14 : memref<!tpu.dma_semaphore, #tpu.memory_space<semaphore_mem>>)
      %mul3A_680 = arith.constant 4 : i32
      %mul3A_681 = arith.muli %add3A_589, %mul3A_680 : i32
      %add3A_682 = arith.addi %mul3A_2, %mul3A_681 : i32
      %add3A_683 = arith.constant 0 : i32
      %add3A_684 = arith.addi %add3A_682, %add3A_683 : i32
      %dma_wait3A_685 = arith.constant 3 : i32
      %dma_wait3A_686 = arith.constant 0 : i32
      %dma_wait3A_687 = arith.constant 0 : i32
      %dma_wait3A_688 = tpu.memref_slice %arg6[%dma_wait3A_685, %dma_wait3A_686, %dma_wait3A_687] : memref<4x104x128xf32, #tpu.memory_space<vmem>> -> memref<1x26x128xf32, #tpu.memory_space<vmem>>
      %dma_wait3A_689 = tpu.memref_squeeze %dma_wait3A_688 : memref<1x26x128xf32, #tpu.memory_space<vmem>> -> memref<26x128xf32, #tpu.memory_space<vmem>>
      %dma_wait3A_690 = arith.constant 0 : i32
      %dma_wait3A_691 = arith.constant 0 : i32
      %dma_wait3A_692 = tpu.memref_slice %arg4[%add3A_684, %dma_wait3A_690, %dma_wait3A_691] : memref<4096x26x128xf32, #tpu.memory_space<hbm>> -> memref<1x26x128xf32, #tpu.memory_space<hbm>>
      %dma_wait3A_693 = tpu.memref_squeeze %dma_wait3A_692 : memref<1x26x128xf32, #tpu.memory_space<hbm>> -> memref<26x128xf32, #tpu.memory_space<hbm>>
      %dma_wait3A_694 = arith.constant 0 : i32
      %dma_wait3A_695 = arith.constant 0 : i32
      %dma_wait3A_696 = tpu.memref_slice %arg4[%add3A_684, %dma_wait3A_694, %dma_wait3A_695] : memref<4096x26x128xf32, #tpu.memory_space<hbm>> -> memref<1x26x128xf32, #tpu.memory_space<hbm>>
      %dma_wait3A_697 = tpu.memref_squeeze %dma_wait3A_696 : memref<1x26x128xf32, #tpu.memory_space<hbm>> -> memref<26x128xf32, #tpu.memory_space<hbm>>
      %dma_wait3A_698 = arith.constant 0 : i32
      %dma_wait3A_699 = arith.constant 0 : i32
      %dma_wait3A_700 = tpu.memref_slice %arg6[%dma_wait3A_685, %dma_wait3A_698, %dma_wait3A_699] : memref<4x104x128xf32, #tpu.memory_space<vmem>> -> memref<1x26x128xf32, #tpu.memory_space<vmem>>
      %dma_wait3A_701 = tpu.memref_squeeze %dma_wait3A_700 : memref<1x26x128xf32, #tpu.memory_space<vmem>> -> memref<26x128xf32, #tpu.memory_space<vmem>>
      tpu.wait_dma2 semaphore(%arg14 : memref<!tpu.dma_semaphore, #tpu.memory_space<semaphore_mem>>) src(%dma_wait3A_701 : memref<26x128xf32, #tpu.memory_space<vmem>>) dst(%dma_wait3A_697 : memref<26x128xf32, #tpu.memory_space<hbm>>)
      %add3A_702 = arith.constant 1 : i32
      %add3A_703 = arith.addi %add3A_682, %add3A_702 : i32
      %dma_wait3A_704 = arith.constant 3 : i32
      %dma_wait3A_705 = arith.constant 26 : i32
      %dma_wait3A_706 = arith.constant 0 : i32
      %dma_wait3A_707 = tpu.memref_slice %arg6[%dma_wait3A_704, %dma_wait3A_705, %dma_wait3A_706] : memref<4x104x128xf32, #tpu.memory_space<vmem>> -> memref<1x26x128xf32, #tpu.memory_space<vmem>>
      %dma_wait3A_708 = tpu.memref_squeeze %dma_wait3A_707 : memref<1x26x128xf32, #tpu.memory_space<vmem>> -> memref<26x128xf32, #tpu.memory_space<vmem>>
      %dma_wait3A_709 = arith.constant 0 : i32
      %dma_wait3A_710 = arith.constant 0 : i32
      %dma_wait3A_711 = tpu.memref_slice %arg4[%add3A_703, %dma_wait3A_709, %dma_wait3A_710] : memref<4096x26x128xf32, #tpu.memory_space<hbm>> -> memref<1x26x128xf32, #tpu.memory_space<hbm>>
      %dma_wait3A_712 = tpu.memref_squeeze %dma_wait3A_711 : memref<1x26x128xf32, #tpu.memory_space<hbm>> -> memref<26x128xf32, #tpu.memory_space<hbm>>
      %dma_wait3A_713 = arith.constant 0 : i32
      %dma_wait3A_714 = arith.constant 0 : i32
      %dma_wait3A_715 = tpu.memref_slice %arg4[%add3A_703, %dma_wait3A_713, %dma_wait3A_714] : memref<4096x26x128xf32, #tpu.memory_space<hbm>> -> memref<1x26x128xf32, #tpu.memory_space<hbm>>
      %dma_wait3A_716 = tpu.memref_squeeze %dma_wait3A_715 : memref<1x26x128xf32, #tpu.memory_space<hbm>> -> memref<26x128xf32, #tpu.memory_space<hbm>>
      %dma_wait3A_717 = arith.constant 26 : i32
      %dma_wait3A_718 = arith.constant 0 : i32
      %dma_wait3A_719 = tpu.memref_slice %arg6[%dma_wait3A_704, %dma_wait3A_717, %dma_wait3A_718] : memref<4x104x128xf32, #tpu.memory_space<vmem>> -> memref<1x26x128xf32, #tpu.memory_space<vmem>>
      %dma_wait3A_720 = tpu.memref_squeeze %dma_wait3A_719 : memref<1x26x128xf32, #tpu.memory_space<vmem>> -> memref<26x128xf32, #tpu.memory_space<vmem>>
      tpu.wait_dma2 semaphore(%arg14 : memref<!tpu.dma_semaphore, #tpu.memory_space<semaphore_mem>>) src(%dma_wait3A_720 : memref<26x128xf32, #tpu.memory_space<vmem>>) dst(%dma_wait3A_716 : memref<26x128xf32, #tpu.memory_space<hbm>>)
      %add3A_721 = arith.constant 2 : i32
      %add3A_722 = arith.addi %add3A_682, %add3A_721 : i32
      %dma_wait3A_723 = arith.constant 3 : i32
      %dma_wait3A_724 = arith.constant 52 : i32
      %dma_wait3A_725 = arith.constant 0 : i32
      %dma_wait3A_726 = tpu.memref_slice %arg6[%dma_wait3A_723, %dma_wait3A_724, %dma_wait3A_725] : memref<4x104x128xf32, #tpu.memory_space<vmem>> -> memref<1x26x128xf32, #tpu.memory_space<vmem>>
      %dma_wait3A_727 = tpu.memref_squeeze %dma_wait3A_726 : memref<1x26x128xf32, #tpu.memory_space<vmem>> -> memref<26x128xf32, #tpu.memory_space<vmem>>
      %dma_wait3A_728 = arith.constant 0 : i32
      %dma_wait3A_729 = arith.constant 0 : i32
      %dma_wait3A_730 = tpu.memref_slice %arg4[%add3A_722, %dma_wait3A_728, %dma_wait3A_729] : memref<4096x26x128xf32, #tpu.memory_space<hbm>> -> memref<1x26x128xf32, #tpu.memory_space<hbm>>
      %dma_wait3A_731 = tpu.memref_squeeze %dma_wait3A_730 : memref<1x26x128xf32, #tpu.memory_space<hbm>> -> memref<26x128xf32, #tpu.memory_space<hbm>>
      %dma_wait3A_732 = arith.constant 0 : i32
      %dma_wait3A_733 = arith.constant 0 : i32
      %dma_wait3A_734 = tpu.memref_slice %arg4[%add3A_722, %dma_wait3A_732, %dma_wait3A_733] : memref<4096x26x128xf32, #tpu.memory_space<hbm>> -> memref<1x26x128xf32, #tpu.memory_space<hbm>>
      %dma_wait3A_735 = tpu.memref_squeeze %dma_wait3A_734 : memref<1x26x128xf32, #tpu.memory_space<hbm>> -> memref<26x128xf32, #tpu.memory_space<hbm>>
      %dma_wait3A_736 = arith.constant 52 : i32
      %dma_wait3A_737 = arith.constant 0 : i32
      %dma_wait3A_738 = tpu.memref_slice %arg6[%dma_wait3A_723, %dma_wait3A_736, %dma_wait3A_737] : memref<4x104x128xf32, #tpu.memory_space<vmem>> -> memref<1x26x128xf32, #tpu.memory_space<vmem>>
      %dma_wait3A_739 = tpu.memref_squeeze %dma_wait3A_738 : memref<1x26x128xf32, #tpu.memory_space<vmem>> -> memref<26x128xf32, #tpu.memory_space<vmem>>
      tpu.wait_dma2 semaphore(%arg14 : memref<!tpu.dma_semaphore, #tpu.memory_space<semaphore_mem>>) src(%dma_wait3A_739 : memref<26x128xf32, #tpu.memory_space<vmem>>) dst(%dma_wait3A_735 : memref<26x128xf32, #tpu.memory_space<hbm>>)
      %add3A_740 = arith.constant 3 : i32
      %add3A_741 = arith.addi %add3A_682, %add3A_740 : i32
      %dma_wait3A_742 = arith.constant 3 : i32
      %dma_wait3A_743 = arith.constant 78 : i32
      %dma_wait3A_744 = arith.constant 0 : i32
      %dma_wait3A_745 = tpu.memref_slice %arg6[%dma_wait3A_742, %dma_wait3A_743, %dma_wait3A_744] : memref<4x104x128xf32, #tpu.memory_space<vmem>> -> memref<1x26x128xf32, #tpu.memory_space<vmem>>
      %dma_wait3A_746 = tpu.memref_squeeze %dma_wait3A_745 : memref<1x26x128xf32, #tpu.memory_space<vmem>> -> memref<26x128xf32, #tpu.memory_space<vmem>>
      %dma_wait3A_747 = arith.constant 0 : i32
      %dma_wait3A_748 = arith.constant 0 : i32
      %dma_wait3A_749 = tpu.memref_slice %arg4[%add3A_741, %dma_wait3A_747, %dma_wait3A_748] : memref<4096x26x128xf32, #tpu.memory_space<hbm>> -> memref<1x26x128xf32, #tpu.memory_space<hbm>>
      %dma_wait3A_750 = tpu.memref_squeeze %dma_wait3A_749 : memref<1x26x128xf32, #tpu.memory_space<hbm>> -> memref<26x128xf32, #tpu.memory_space<hbm>>
      %dma_wait3A_751 = arith.constant 0 : i32
      %dma_wait3A_752 = arith.constant 0 : i32
      %dma_wait3A_753 = tpu.memref_slice %arg4[%add3A_741, %dma_wait3A_751, %dma_wait3A_752] : memref<4096x26x128xf32, #tpu.memory_space<hbm>> -> memref<1x26x128xf32, #tpu.memory_space<hbm>>
      %dma_wait3A_754 = tpu.memref_squeeze %dma_wait3A_753 : memref<1x26x128xf32, #tpu.memory_space<hbm>> -> memref<26x128xf32, #tpu.memory_space<hbm>>
      %dma_wait3A_755 = arith.constant 78 : i32
      %dma_wait3A_756 = arith.constant 0 : i32
      %dma_wait3A_757 = tpu.memref_slice %arg6[%dma_wait3A_742, %dma_wait3A_755, %dma_wait3A_756] : memref<4x104x128xf32, #tpu.memory_space<vmem>> -> memref<1x26x128xf32, #tpu.memory_space<vmem>>
      %dma_wait3A_758 = tpu.memref_squeeze %dma_wait3A_757 : memref<1x26x128xf32, #tpu.memory_space<vmem>> -> memref<26x128xf32, #tpu.memory_space<vmem>>
      tpu.wait_dma2 semaphore(%arg14 : memref<!tpu.dma_semaphore, #tpu.memory_space<semaphore_mem>>) src(%dma_wait3A_758 : memref<26x128xf32, #tpu.memory_space<vmem>>) dst(%dma_wait3A_754 : memref<26x128xf32, #tpu.memory_space<hbm>>)
      %add3A_759 = arith.constant 4 : i32
      %add3A_760 = arith.addi %add3A_589, %add3A_759 : i32
      %lt3A_761 = arith.constant 32 : i32
      %lt3A_762 = arith.cmpi slt, %add3A_760, %lt3A_761 : i32
      %convert_element_type3A_763 = arith.extui %lt3A_762 : i1 to i32
      %cond3A_764 = arith.constant 0 : i32
      %cond3A_765 = arith.cmpi ne, %convert_element_type3A_763, %cond3A_764 : i32
      scf.if %cond3A_765 {
        %add3A_766 = arith.constant 4 : i32
        %add3A_767 = arith.addi %add3A_589, %add3A_766 : i32
        %dma_start3A_768 = arith.constant 3 : i32
        %dma_start3A_769 = arith.constant 0 : i32
        %dma_start3A_770 = arith.constant 0 : i32
        %dma_start3A_771 = tpu.memref_slice %arg6[%dma_start3A_768, %dma_start3A_769, %dma_start3A_770] : memref<4x104x128xf32, #tpu.memory_space<vmem>> -> memref<1x104x128xf32, #tpu.memory_space<vmem>>
        %dma_start3A_772 = tpu.memref_squeeze %dma_start3A_771 : memref<1x104x128xf32, #tpu.memory_space<vmem>> -> memref<104x128xf32, #tpu.memory_space<vmem>>
        %dma_start3A_773 = arith.constant 0 : i32
        %dma_start3A_774 = tpu.memref_slice %arg5[%add3A_767, %dma_start3A_773] : memref<32x128xi32, #tpu.memory_space<vmem>> -> memref<1x104xi32, #tpu.memory_space<vmem>>
        %dma_start3A_775 = tpu.memref_squeeze %dma_start3A_774 : memref<1x104xi32, #tpu.memory_space<vmem>> -> memref<104xi32, #tpu.memory_space<vmem>>
        %dma_start3A_776 = arith.constant 0 : i32
        %dma_start3A_777 = arith.constant 0 : i32
        %dma_start3A_778 = tpu.memref_slice %arg3[%dma_start3A_776, %dma_start3A_777] : memref<100001x128xf32, #tpu.memory_space<hbm>> -> memref<100001x128xf32, #tpu.memory_space<hbm>>
        tpu.enqueue_indirect_dma source(%dma_start3A_778 : memref<100001x128xf32, #tpu.memory_space<hbm>>) target(%dma_start3A_772 : memref<104x128xf32, #tpu.memory_space<vmem>>) offsets(%dma_start3A_775 : memref<104xi32, #tpu.memory_space<vmem>>) semaphore(%arg10 : memref<!tpu.dma_semaphore, #tpu.memory_space<semaphore_mem>>)
      } else {
      }
    }
    %scan3A_54 = arith.constant 8 : i32
    return
  }
}

</mosaic_0001>

<sc_bundles>
// kernel: _gather_rows.3.cloned.1.call-start
scs
__scs_entry_jumppad:
0x0: {  	(pc) =	sbr.rel $0x88, $3  }
0x1: {  	(tag) =	ssettag $0x0;
	lr =	simm.s32 $0x1  }
0x2: {  	[smem:$0x3F9F] =	sst lr;
	_ =	strace $0xD0000000  }
0x3: {  	_ = 	snop  }
0x4: {  	_ = 	snop  }
0x5: {  	_ = 	snop  }
0x6: {  	_ = 	snop  }
0x7: {  	_ = 	snop  }
__scs_overlays_trampoline_lowered:
0x8: {  	[smem:$0x3FAE] =	sst s0  }
0x9: {  	[smem:$0x3FAF] =	sst s1  }
0xa: {  	[smem:$0x3FB0] =	sst s2  }
0xb: {  	[smem:$0x3FB1] =	sst s3  }
0xc: {  	[smem:$0x3FB2] =	sst s4  }
0xd: {  	[smem:$0x3FB3] =	sst s5  }
0xe: {  	[smem:$0x3FB4] =	sst s6  }
0xf: {  	[smem:$0x3FB5] =	sst s7  }
0x10: {  	[smem:$0x3FB6] =	sst s8  }
0x11: {  	[smem:$0x3FB7] =	sst s9;
	s0 =	simm.s32 @!p0 $0x0  }
0x12: {  	s1 =	sld [smem:$0x3F9D];
	s0 =	simm.s32 @p0 $0x1  }
0x13: {  	[smem:$0x3FB8] =	sst s0;
	s0 =	simm.s32 @!p1 $0x0  }
0x14: {  	s2 =	sld [smem:$0x3F9C];
	s0 =	simm.s32 @p1 $0x1  }
0x15: {  	[smem:$0x3FB9] =	sst s0;
	s0 =	simm.s32 @!p2 $0x0  }
0x16: {  	s3 =	sld [smem:$0x3FDB];
	s0 =	simm.s32 @p2 $0x1  }
0x17: {  	s4 =	simm.s32 $0x1BF5;
	[smem:$0x3FBB] =	sst s0  }
0x18: {  	s0 =	sld [smem:$0x3F9E];
	_ =	swait.ge [sflag:s4], $0x0  }
0x19: {  	s7 =	sld [smem:$0x3F9F]  }
0x1a: {  	s8 =	sadd.s32 $0xFFFFE003, lr  }
0x1b: {  	s9 =	sadd.s32 $0xFFFFFEF7, lr;
	s5 =	simm.s32 $0xFFFFFFFF;
	p2 =	slt.u32 s8, $0xFFFFF086  }
0x1c: {  	p1 =	slt.u32 s9, $0xF7A;
	s5 =	simm.s32 @!p2 $0x0  }
0x1d: {  	s5 =	simm.s32 @p1 $0x1;
	p0 =	seq.s32 s7, s2  }
0x1e: {  	s7 =	smul.u32 @!p0 $0xF7A, s2;
	p2 =	seq.s32 @!p0 s5, $0x0  }
0x1f: {  	s9 =	smul.u32 $0xF7A, s1;
	s8 =	simm.s32 @!p0 $0x1BF5;
	p2 =	por !p2, p0  }
0x20: {  	[sflag:s8] =	ssyncset.s32 @!p0 $0xFFFFF086;
	s6 =	sadd.s32 @!p0 s3, s7;
	s7 =	simm.s32 @!p0 $0x108  }
0x21: {  	s3 =	sadd.s32 s3, s9;
	s6 =	sadd.s32 @!p0 $0x88, s6;
	s7 =	simm.s32 @p2 $0x1082  }
0x22: {  	[simem:s7], [sflag:s8] =	dma.local @!p0 [hbm:s6], $0xF7A  }
0x23: {  	s9 =	sor.u32 $0xD0000000, s2;
	s6 =	simm.s32 $0x108;
	_ =	swait.ge @!p0 [sflag:s8], $0x0  }
0x24: {  	s3 =	sadd.s32 $0x88, s3;
	s6 =	simm.s32 @!p1 $0x1082;
	[sflag:s4] =	ssyncset.s32 $0xFFFFF086  }
0x25: {  	[simem:s6], [sflag:s4] =	dma.local [hbm:s3], $0xF7A  }
0x26: {  	[smem:$0x3F9F] =	sst s1;
	(tag) =	ssettag s2;
	_ =	strace s9  }
0x27: {  	s1 =	sld [smem:$0x3FAF]  }
0x28: {  	s2 =	sld [smem:$0x3FB0]  }
0x29: {  	s4 =	sld [smem:$0x3FB2]  }
0x2a: {  	p0 =	seq.s32 s5, $0x0;
	s5 =	sld [smem:$0x3FB3]  }
0x2b: {  	s6 =	sld [smem:$0x3FB4]  }
0x2c: {  	s7 =	sld [smem:$0x3FB5]  }
0x2d: {  	s3 =	simm.s32 $0x108;
	s8 =	sld [smem:$0x3FB6]  }
0x2e: {  	s3 =	simm.s32 @!p0 $0x1082;
	s9 =	sld [smem:$0x3FB7]  }
0x2f: {  	lr =	sadd.s32 s0, s3;
	s0 =	sld [smem:$0x3FAE]  }
0x30: {  	s3 =	sld [smem:$0x3FB1]  }
0x31: {  	[smem:$0x3FBA] =	sst s10  }
0x32: {  	s10 =	sld [smem:$0x3FB8];
	_ =	sdelay $0x3  }
0x33: {  	p0 =	seq.s32 s10, $0x1;
	s10 =	sld [smem:$0x3FBA];
	_ =	sdelay $0x3  }
0x34: {  	[smem:$0x3FBA] =	sst s10  }
0x35: {  	s10 =	sld [smem:$0x3FB9];
	_ =	sdelay $0x3  }
0x36: {  	p1 =	seq.s32 s10, $0x1;
	s10 =	sld [smem:$0x3FBA];
	_ =	sdelay $0x3  }
0x37: {  	[smem:$0x3FBA] =	sst s10  }
0x38: {  	s10 =	sld [smem:$0x3FBB]  }
0x39: {  	_ = 	snop;
	(pc) =	sbr.ind lr, $3  }
0x3a: {  	_ = 	snop  }
0x3b: {  	_ = 	snop  }
0x3c: {  	p2 =	seq.s32 s10, $0x1;
	s10 =	sld [smem:$0x3FBA]  }
0x3d: {  	_ =	shalt  }
0x3e: {  	_ =	shalt  }
0x3f: {  	_ =	shalt  }
0x40: {  	_ =	shalt  }
0x41: {  	_ =	shalt  }
0x42: {  	_ =	shalt  }
0x43: {  	_ =	shalt  }
0x44: {  	_ =	shalt  }
0x45: {  	_ =	shalt  }
0x46: {  	_ =	shalt  }
0x47: {  	_ =	shalt  }
0x48: {  	_ =	shalt  }
0x49: {  	_ =	shalt  }
0x4a: {  	_ =	shalt  }
0x4b: {  	_ =	shalt  }
0x4c: {  	_ =	shalt  }
0x4d: {  	_ =	shalt  }
0x4e: {  	_ =	shalt  }
0x4f: {  	_ =	shalt  }
0x50: {  	_ =	shalt  }
0x51: {  	_ =	shalt  }
0x52: {  	_ =	shalt  }
0x53: {  	_ =	shalt  }
0x54: {  	_ =	shalt  }
0x55: {  	_ =	shalt  }
0x56: {  	_ =	shalt  }
0x57: {  	_ =	shalt  }
0x58: {  	_ =	shalt  }
0x59: {  	_ =	shalt  }
0x5a: {  	_ =	shalt  }
0x5b: {  	_ =	shalt  }
0x5c: {  	_ =	shalt  }
0x5d: {  	_ =	shalt  }
0x5e: {  	_ =	shalt  }
0x5f: {  	_ =	shalt  }
0x60: {  	_ =	shalt  }
0x61: {  	_ =	shalt  }
0x62: {  	_ =	shalt  }
0x63: {  	_ =	shalt  }
0x64: {  	_ =	shalt  }
0x65: {  	_ =	shalt  }
0x66: {  	_ =	shalt  }
0x67: {  	_ =	shalt  }
0x68: {  	_ =	shalt  }
0x69: {  	_ =	shalt  }
0x6a: {  	_ =	shalt  }
0x6b: {  	_ =	shalt  }
0x6c: {  	_ =	shalt  }
0x6d: {  	_ =	shalt  }
0x6e: {  	_ =	shalt  }
0x6f: {  	_ =	shalt  }
0x70: {  	_ =	shalt  }
0x71: {  	_ =	shalt  }
0x72: {  	_ =	shalt  }
0x73: {  	_ =	shalt  }
0x74: {  	_ =	shalt  }
0x75: {  	_ =	shalt  }
0x76: {  	_ =	shalt  }
0x77: {  	_ =	shalt  }
0x78: {  	_ =	shalt  }
0x79: {  	_ =	shalt  }
0x7a: {  	_ =	shalt  }
0x7b: {  	_ =	shalt  }
0x7c: {  	_ =	shalt  }
0x7d: {  	_ =	shalt  }
0x7e: {  	_ =	shalt  }
0x7f: {  	_ =	shalt  }
0x80: {  	_ =	shalt  }
0x81: {  	_ =	shalt  }
0x82: {  	_ =	shalt  }
0x83: {  	_ =	shalt  }
0x84: {  	_ =	shalt  }
0x85: {  	_ =	shalt  }
0x86: {  	_ =	shalt  }
0x87: {  	_ =	shalt  }
.Lfunc_end0:
.L_simem_size_0:
called_computation_lowered:
.L_overlay_start_0:
0x88: {  	s2 =	sld [smem:$0x3FD9]  }
0x89: {  	s3 =	sld [smem:$0x3FFE];
	_ =	sdelay $0x1  }
0x8a: {  	s1 =	srdreg.scid  }
0x8b: {  	s0 =	sand.u32 $0x1, s1  }
0x8c: {  	s17 =	sshll.u32 s0, $0xA;
	s2 =	sadd.s32 s3, s2  }
0x8d: {  	s2 =	sadd.s32 s2, s17  }
0x8e: {  	[smem:$0x3FC6] =	sst s2  }
0x8f: {  	_ = 	snop  }
0x90: {  	s2 =	sld [smem:$0x3FC9]  }
0x91: {  	s18 =	sld [smem:$0x3FC8];
	(tm) =	ssettm $0x1  }
0x92: {  	s4 =	sld [smem:$0x3FFB];
	_ =	sdelay $0x3  }
0x93: {  	_ =	strace s4  }
0x94: {  	s4 =	sld [smem:$0x3FFC];
	_ =	sdelay $0x3  }
0x95: {  	_ =	strace s4  }
0x96: {  	s4 =	sld [smem:$0x3FFD];
	_ =	sdelay $0x3  }
0x97: {  	_ =	strace s4  }
0x98: {  	_ =	strace $0x8FFFFFFF  }
0x99: {  	s19 =	sld [smem:$0x3FDB];
	_ =	sdelay $0x1  }
0x9a: {  	s5 =	simm.s32 $_scs_section_size  }
0x9b: {  	s6 =	simm.s32 $_size__tile_overlayer_lowered;
	s7 =	simm.s32 $_tile_overlayer_lowered  }
0x9c: {  	s22 =	simm.s32 $0x1BFF;
	s21 =	sshll.u32 s7, $0x1;
	s4 =	sadd.s32 s5, s19  }
0x9d: {  	s8 =	simm.s32 $0x0;
	s20 =	sshll.u32 s6, $0x1;
	s6 =	sadd.s32 s21, s4  }
0x9e: {  	[timem:s8], [sflag:s22] =	dma.local [hbm:s6], s20  }
0x9f: {  	_ =	swait.ge [sflag:s22], s20  }
0xa0: {  	s5 =	ssub.s32 $0x0, s20;
	[sflag:s22] =	ssyncset.done $0x0  }
0xa1: {  	[sflag:s22] =	ssyncadd.s32 s5;
	_ =	sdelay $0x1  }
0xa2: {  	s23 =	simm.s32 $0x1B8B  }
0xa3: {  	_ =	swait.ge [sflag:s23], $0x1  }
0xa4: {  	[sflag:s23] =	ssyncset.done $0x0  }
0xa5: {  	s25 =	simm.s32 $0x1B8E;
	s24 =	sld [smem:$0x3FFE];
	[sflag:s23] =	ssyncadd.s32 $0xFFFFFFFF  }
0xa6: {  	s26 =	simm.s32 $execute0_lowered;
	[smem:$0x3FD2] =	sst s25  }
0xa7: {  	s6 =	sshll.u32 s26, $0x1;
	_ =	strace $0x80000046;
	[dreg:$0x1] =	wrdreg $0xFFFFFFFF  }
0xa8: {  	s28 =	simm.s32 $_size_execute0_lowered;
	s4 =	sadd.s32 s4, s6;
	[dreg:$0x0] =	wrdreg $0x0  }
0xa9: {  	s6 =	sshll.u32 s28, $0x1;
	[dreg:$0x2] =	wrdreg s4  }
0xaa: {  	[dreg:$0x3] =	wrdreg s6  }
0xab: {  	[dreg:$0x4] =	wrdreg $0xC0  }
0xac: {  	_ =	task [dreg:s8], $0x5FFFF  }
0xad: {  	[dreg:$0x1] =	wrdreg $0xFFFFFFFF  }
0xae: {  	[dreg:$0x0] =	wrdreg $0x60  }
0xaf: {  	[dreg:$0x2] =	wrdreg s2  }
0xb0: {  	[dreg:$0x3] =	wrdreg s18  }
0xb1: {  	[dreg:$0x4] =	wrdreg s24  }
0xb2: {  	[dreg:$0x5] =	wrdreg $0x9  }
0xb3: {  	_ =	task.clear_ibuf [dreg:s8], $0x6FFFF;
	_ =	strace $0x90000046  }
0xb4: {  	s29 =	simm.s32 $0x9;
	_ =	strace $0x80000048  }
0xb5: {  	_ =	swait.ge [sflag:s29], $0x1  }
0xb6: {  	[sflag:s29] =	ssyncadd.s32 $0xFFFFFFFF  }
0xb7: {  	_ =	strace $0x90000048  }
0xb8: {  	_ =	sfence  }
0xb9: {  	s30 =	sld [smem:$0x0];
	_ =	sdelay $0x2  }
0xba: {  	s31 =	sshll.u32 s1, $0xD;
	s1 =	sshrl.u32 s1, $0x2  }
0xbb: {  	s3 =	sand.u32 $0x4000, s31;
	s1 =	sadd.s32 s1, s30  }
0xbc: {  	s0 =	sor.u32 s3, s0;
	s1 =	sshll.u32 s1, $0x11  }
0xbd: {  	s0 =	sor.u32 s1, s0  }
0xbe: {  	s0 =	sadd.s32 $0x8F2B, s0  }
0xbf: {  	[sflag:s0] =	ssyncadd.remote.s32 $0x1  }
0xc0: {  	_ =	sfence.sel $0xFFFF  }
0xc1: {  	[dreg:$0x0] =	wrdreg $0xFFFFFFFF;
	(pc) =	sbr.abs _section_cstart, $3  }
0xc2: {  	[dreg:$0x1] =	wrdreg $0xFFFFFFFF  }
0xc3: {  	_ =	task.clear_ibuf [dreg:s8], $0x2FFFF;
	_ =	strace $0x9FFFFFFF  }
0xc4: {  	(tm) =	ssettm $0x7FFFFFFF  }
0xc5: {  	_ =	shalt  }
tec
execute0_lowered:
.L_overlay_start_1:
0x0: {  	(tag) =	ssettag $0x1  }
0x1: {  	s0 =	rddreg [dreg:$0x0]  }
0x2: {  	s1 =	rddreg [dreg:$0x1]  }
0x3: {  	s3 =	rddreg [dreg:$0x2]  }
0x4: {  	s2 =	simm.s32 $0x0;
	s4 =	srdreg.scid;
	s8 =	stileid.u32  }
0x5: {  	s11 =	simm.s32 $0x68;
	s18 =	simm.s32 $0xAC00;
	s19 =	simm.s32 $0x1  }
0x6: {  	s22 =	simm.s32 $0x3700;
	s28 =	simm.s32 $0x6B00;
	s29 =	simm.s32 $0x6  }
0x7: {  	s30 =	simm.s32 $0x3;
	s31 =	simm.s32 $0x8500;
	s13 =	simm.s32 $0x7  }
0x8: {  	s15 =	simm.s32 $0x4;
	s17 =	simm.s32 $0xB900;
	s10 =	simm.s32 $0x8  }
0x9: {  	s14 =	simm.s32 $0x0;
	[smem:$0x7FF] =	sst s2;
	s4 =	sand.u32 $0x1, s4  }
0xa: {  	s3 =	sadd.s32 $0x400, s3;
	s23 =	sshll.u32 s8, $0xA;
	s24 =	sshll.u32 s8, $0x11  }
0xb: {  	_ =	strace $0x80000047;
	s5 =	ssub.s32 $0x2, s4;
	s7 =	sshll.u32 s4, $0x9  }
0xc: {  	s4 =	sshll.u32 s4, $0x10;
	s25 =	sadd.s32 s24, s3;
	s6 =	sshrl.u32 s5, $0x1  }
0xd: {  	s5 =	ssub.s32 s5, s6;
	s6 =	sor.u32 s7, s23;
	s7 =	sor.u32 s4, s24  }
0xe: {  	s23 =	simm.s32 $0x5;
	s24 =	simm.s32 $0x2;
	s0 =	sadd.s32 s0, s6  }
.Ltmp0:
0xf: {  	s5 =	smax.u32 s5, $0x1;
	s6 =	sadd.s32 s4, s25;
	(pc) =	sbr.rel .LBB2_1-.Ltmp0, $4  }
0x10: {  	s26 =	sadd.s32 s7, s3;
	s25 =	simm.s32 $0x5100;
	[dreg:$0x4] =	wrdreg s0  }
0x11: {  	s3 =	simm.s32 $0x9F00;
	s4 =	simm.s32 $0xC600;
	[dreg:$0x5] =	wrdreg s5  }
0x12: {  	s7 =	sadd.s32 $0x1800, s26;
	s8 =	sadd.s32 $0x1000, s26;
	s9 =	sadd.s32 $0x800, s26  }
0x13: {  	s26 =	simm.s32 $0x5E00;
	s0 =	simm.s32 $0x9200;
	s5 =	simm.s32 $0xD300  }
.LBB2_4:
0x14: {  	s14 =	rddreg [dreg:$0x6]  }
0x15: {  	s12 =	rddreg [dreg:$0x5];
	s14 =	sadd.s32 $0x1, s14  }
0x16: {  	p0 =	sne.s32 s14, s12  }
.Ltmp1:
0x17: {  	_ = 	snop;
	(pc) =	sbr.rel @!p0 .LBB2_5-.Ltmp1, $1  }
0x18: {  	_ =	sdelay $0x3  }
.LBB2_1:
0x19: {  	[dreg:$0x6] =	wrdreg s14  }
0x1a: {  	s12 =	rddreg [dreg:$0x4];
	s14 =	simm.s32 $0x9  }
0x1b: {  	[tilespmem:s2], [sflag:$0x9] =	stream.linear.gather [hbm4b:s12+s2], $0x1000, $0x38;
	[tilespmem:$0xE000] =	vst v63  }
0x1c: {  	_ =	swait.ge [sflag:s14], $0x1000  }
0x1d: {  	[sflag:s14] =	ssyncset.done $0x0  }
0x1e: {  	s16 =	simm.s32 $0x1000;
	[sflag:s14] =	ssyncadd.s32 $0xFFFFF000  }
0x1f: {  	[tilespmem:s16], [sflag:$0x1] =	stream.indirect.gather [hbm4b:s1+s11], $0x80, s2, s11, $0xb8;
	[tilespmem:$0xE000] =	vst v63  }
0x20: {  	s20 =	simm.s32 $0x80;
	s21 =	simm.s32 $0x4400  }
0x21: {  	[tilespmem:s21], [sflag:$0x2] =	stream.indirect.gather [hbm4b:s1+s11], $0x80, s20, s11, $0xb8;
	[tilespmem:$0xE000] =	vst v63  }
0x22: {  	s16 =	simm.s32 $0x100;
	s20 =	simm.s32 $0x7800  }
0x23: {  	[tilespmem:s20], [sflag:$0x3] =	stream.indirect.gather [hbm4b:s1+s11], $0x80, s16, s11, $0xb8;
	[tilespmem:$0xE000] =	vst v63  }
0x24: {  	s12 =	simm.s32 $0x200;
	s14 =	simm.s32 $0x0;
	s21 =	simm.s32 $0x180  }
0x25: {  	[tilespmem:s18], [sflag:$0x4] =	stream.indirect.gather [hbm4b:s1+s11], $0x80, s21, s11, $0xb8;
	[tilespmem:$0xE000] =	vst v63  }
.LBB2_2:
0x26: {  	_ =	swait.ge [sflag:s19], $0x3400  }
0x27: {  	[sflag:s19] =	ssyncset.done $0x0  }
0x28: {  	s20 =	sadd.s32 s14, s6;
	s16 =	simm.s32 $0x1000;
	[sflag:s19] =	ssyncadd.s32 $0xFFFFCC00  }
0x29: {  	[hbm4b:s20+s2] =	stream.linear.scatter [tilespmem:s16], [sflag:$0x5], $0xD00, $0x38;
	[tilespmem:$0xE000] =	vst v63  }
0x2a: {  	s21 =	sadd.s32 $0x200, s20;
	s16 =	simm.s32 $0x1D00  }
0x2b: {  	[hbm4b:s21+s2] =	stream.linear.scatter [tilespmem:s16], [sflag:$0x5], $0xD00, $0x38;
	[tilespmem:$0xE000] =	vst v63  }
0x2c: {  	s21 =	sadd.s32 $0x400, s20;
	s16 =	simm.s32 $0x2A00  }
0x2d: {  	[hbm4b:s21+s2] =	stream.linear.scatter [tilespmem:s16], [sflag:$0x5], $0xD00, $0x38;
	[tilespmem:$0xE000] =	vst v63  }
0x2e: {  	s20 =	sadd.s32 $0x600, s20  }
0x2f: {  	[hbm4b:s20+s2] =	stream.linear.scatter [tilespmem:s22], [sflag:$0x5], $0xD00, $0x38;
	[tilespmem:$0xE000] =	vst v63  }
0x30: {  	_ =	swait.ge [sflag:s23], $0xD00  }
0x31: {  	[sflag:s23] =	ssyncset.done $0x0  }
0x32: {  	[sflag:s23] =	ssyncadd.s32 $0xFFFFF300  }
0x33: {  	_ =	swait.ge [sflag:s23], $0xD00  }
0x34: {  	[sflag:s23] =	ssyncset.done $0x0  }
0x35: {  	[sflag:s23] =	ssyncadd.s32 $0xFFFFF300  }
0x36: {  	_ =	swait.ge [sflag:s23], $0xD00  }
0x37: {  	[sflag:s23] =	ssyncset.done $0x0  }
0x38: {  	[sflag:s23] =	ssyncadd.s32 $0xFFFFF300  }
0x39: {  	_ =	swait.ge [sflag:s23], $0xD00  }
0x3a: {  	p0 =	seq.s32 s14, $0xE000;
	[sflag:s23] =	ssyncset.done $0x0  }
0x3b: {  	s21 =	simm.s32 @!p0 $0x1000;
	s20 =	simm.s32 @!p0 $0x68;
	[sflag:s23] =	ssyncadd.s32 $0xFFFFF300  }
0x3c: {  	[tilespmem:s21], [sflag:$0x1] =	stream.indirect.gather @!p0 [hbm4b:s1+s20], $0x80, s12, s20, $0xb8;
	[tilespmem:$0xE000] =	vst v63  }
0x3d: {  	_ =	swait.ge [sflag:s24], $0x3400  }
0x3e: {  	[sflag:s24] =	ssyncset.done $0x0  }
0x3f: {  	s16 =	simm.s32 $0x4400;
	s21 =	sadd.s32 s14, s9;
	[sflag:s24] =	ssyncadd.s32 $0xFFFFCC00  }
0x40: {  	[hbm4b:s21+s2] =	stream.linear.scatter [tilespmem:s16], [sflag:$0x6], $0xD00, $0x38;
	[tilespmem:$0xE000] =	vst v63  }
0x41: {  	s16 =	sadd.s32 $0x200, s21  }
0x42: {  	[hbm4b:s16+s2] =	stream.linear.scatter [tilespmem:s25], [sflag:$0x6], $0xD00, $0x38;
	[tilespmem:$0xE000] =	vst v63  }
0x43: {  	s16 =	sadd.s32 $0x400, s21  }
0x44: {  	[hbm4b:s16+s2] =	stream.linear.scatter [tilespmem:s26], [sflag:$0x6], $0xD00, $0x38;
	[tilespmem:$0xE000] =	vst v63  }
0x45: {  	s21 =	sadd.s32 $0x600, s21  }
0x46: {  	[hbm4b:s21+s2] =	stream.linear.scatter [tilespmem:s28], [sflag:$0x6], $0xD00, $0x38;
	[tilespmem:$0xE000] =	vst v63  }
0x47: {  	_ =	swait.ge [sflag:s29], $0xD00  }
0x48: {  	[sflag:s29] =	ssyncset.done $0x0  }
0x49: {  	[sflag:s29] =	ssyncadd.s32 $0xFFFFF300  }
0x4a: {  	_ =	swait.ge [sflag:s29], $0xD00  }
0x4b: {  	[sflag:s29] =	ssyncset.done $0x0  }
0x4c: {  	[sflag:s29] =	ssyncadd.s32 $0xFFFFF300  }
0x4d: {  	_ =	swait.ge [sflag:s29], $0xD00  }
0x4e: {  	[sflag:s29] =	ssyncset.done $0x0  }
0x4f: {  	[sflag:s29] =	ssyncadd.s32 $0xFFFFF300  }
0x50: {  	_ =	swait.ge [sflag:s29], $0xD00  }
0x51: {  	[sflag:s29] =	ssyncset.done $0x0  }
0x52: {  	s16 =	sadd.s32 @!p0 $0x80, s12;
	s21 =	simm.s32 @!p0 $0x4400;
	[sflag:s29] =	ssyncadd.s32 $0xFFFFF300  }
0x53: {  	[tilespmem:s21], [sflag:$0x2] =	stream.indirect.gather @!p0 [hbm4b:s1+s20], $0x80, s16, s20, $0xb8;
	[tilespmem:$0xE000] =	vst v63  }
0x54: {  	_ =	swait.ge [sflag:s30], $0x3400  }
0x55: {  	[sflag:s30] =	ssyncset.done $0x0  }
0x56: {  	s16 =	sadd.s32 s14, s8;
	s21 =	simm.s32 $0x7800;
	[sflag:s30] =	ssyncadd.s32 $0xFFFFCC00  }
0x57: {  	[hbm4b:s16+s2] =	stream.linear.scatter [tilespmem:s21], [sflag:$0x7], $0xD00, $0x38;
	[tilespmem:$0xE000] =	vst v63  }
0x58: {  	s21 =	sadd.s32 $0x200, s16  }
0x59: {  	[hbm4b:s21+s2] =	stream.linear.scatter [tilespmem:s31], [sflag:$0x7], $0xD00, $0x38;
	[tilespmem:$0xE000] =	vst v63  }
0x5a: {  	s21 =	sadd.s32 $0x400, s16  }
0x5b: {  	[hbm4b:s21+s2] =	stream.linear.scatter [tilespmem:s0], [sflag:$0x7], $0xD00, $0x38;
	[tilespmem:$0xE000] =	vst v63  }
0x5c: {  	s16 =	sadd.s32 $0x600, s16  }
0x5d: {  	[hbm4b:s16+s2] =	stream.linear.scatter [tilespmem:s3], [sflag:$0x7], $0xD00, $0x38;
	[tilespmem:$0xE000] =	vst v63  }
0x5e: {  	_ =	swait.ge [sflag:s13], $0xD00  }
0x5f: {  	[sflag:s13] =	ssyncset.done $0x0  }
0x60: {  	[sflag:s13] =	ssyncadd.s32 $0xFFFFF300  }
0x61: {  	_ =	swait.ge [sflag:s13], $0xD00  }
0x62: {  	[sflag:s13] =	ssyncset.done $0x0  }
0x63: {  	[sflag:s13] =	ssyncadd.s32 $0xFFFFF300  }
0x64: {  	_ =	swait.ge [sflag:s13], $0xD00  }
0x65: {  	[sflag:s13] =	ssyncset.done $0x0  }
0x66: {  	[sflag:s13] =	ssyncadd.s32 $0xFFFFF300  }
0x67: {  	_ =	swait.ge [sflag:s13], $0xD00  }
0x68: {  	[sflag:s13] =	ssyncset.done $0x0  }
0x69: {  	s21 =	simm.s32 @!p0 $0x7800;
	s16 =	sadd.s32 @!p0 $0x100, s12;
	[sflag:s13] =	ssyncadd.s32 $0xFFFFF300  }
0x6a: {  	[tilespmem:s21], [sflag:$0x3] =	stream.indirect.gather @!p0 [hbm4b:s1+s20], $0x80, s16, s20, $0xb8;
	[tilespmem:$0xE000] =	vst v63  }
0x6b: {  	_ =	swait.ge [sflag:s15], $0x3400  }
0x6c: {  	[sflag:s15] =	ssyncset.done $0x0  }
0x6d: {  	s16 =	sadd.s32 s14, s7;
	[sflag:s15] =	ssyncadd.s32 $0xFFFFCC00  }
0x6e: {  	[hbm4b:s16+s2] =	stream.linear.scatter [tilespmem:s18], [sflag:$0x8], $0xD00, $0x38;
	[tilespmem:$0xE000] =	vst v63  }
0x6f: {  	s21 =	sadd.s32 $0x200, s16  }
0x70: {  	[hbm4b:s21+s2] =	stream.linear.scatter [tilespmem:s17], [sflag:$0x8], $0xD00, $0x38;
	[tilespmem:$0xE000] =	vst v63  }
0x71: {  	s21 =	sadd.s32 $0x400, s16  }
0x72: {  	[hbm4b:s21+s2] =	stream.linear.scatter [tilespmem:s4], [sflag:$0x8], $0xD00, $0x38;
	[tilespmem:$0xE000] =	vst v63  }
0x73: {  	s16 =	sadd.s32 $0x600, s16  }
0x74: {  	[hbm4b:s16+s2] =	stream.linear.scatter [tilespmem:s5], [sflag:$0x8], $0xD00, $0x38;
	[tilespmem:$0xE000] =	vst v63  }
0x75: {  	_ =	swait.ge [sflag:s10], $0xD00  }
0x76: {  	[sflag:s10] =	ssyncset.done $0x0  }
0x77: {  	[sflag:s10] =	ssyncadd.s32 $0xFFFFF300  }
0x78: {  	_ =	swait.ge [sflag:s10], $0xD00  }
0x79: {  	[sflag:s10] =	ssyncset.done $0x0  }
0x7a: {  	[sflag:s10] =	ssyncadd.s32 $0xFFFFF300  }
0x7b: {  	_ =	swait.ge [sflag:s10], $0xD00  }
.Ltmp2:
0x7c: {  	[sflag:s10] =	ssyncset.done $0x0;
	(pc) =	sbr.rel @p0 .LBB2_4-.Ltmp2, $4  }
0x7d: {  	[sflag:s10] =	ssyncadd.s32 $0xFFFFF300  }
0x7e: {  	_ =	swait.ge [sflag:s10], $0xD00  }
0x7f: {  	[sflag:s10] =	ssyncset.done $0x0  }
0x80: {  	[sflag:s10] =	ssyncadd.s32 $0xFFFFF300  }
.Ltmp3:
0x81: {  	(pc) =	sbr.rel .LBB2_2-.Ltmp3, $3  }
0x82: {  	_ =	sdelay $0x1  }
0x83: {  	s16 =	sadd.s32 $0x180, s12;
	s14 =	sadd.s32 $0x2000, s14;
	s12 =	sadd.s32 $0x200, s12  }
0x84: {  	[tilespmem:s18], [sflag:$0x4] =	stream.indirect.gather [hbm4b:s1+s11], $0x80, s16, s11, $0xb8;
	[tilespmem:$0xE000] =	vst v63  }
.LBB2_5:
0x85: {  	_ =	sfence.sel $0x180000  }
0x86: {  	[bflag:$0x0] =	sbarrier.arrive $0xFFFF  }
0x87: {  	_ =	strace $0x90000047  }
0x88: {  	s0 =	stileid.u32;
	[bflag:$0x2] =	sbarrier.arrive $0xFFFF  }
0x89: {  	p0 =	sne.s32 s0, $0x0;
	s0 =	rddreg [dreg:$0x3]  }
0x8a: {  	s0 =	sadd.s32 @!p0 $0x100000, s0  }
0x8b: {  	[sflag:s0] =	ssyncadd.tile.s32 @!p0 $0x1;
	_ =	shalt  }
.Lfunc_end2:
_tile_overlayer_lowered:
.L_overlay_start_2:
0x8c: {  	(tag) =	ssettag $0x2  }
0x8d: {  	s0 =	rddreg [dreg:$0x0];
	s2 =	stileid.u32  }
0x8e: {  	s1 =	rddreg [dreg:$0x1];
	p0 =	sne.s32 s2, $0x0  }
0x8f: {  	s3 =	rddreg [dreg:$0x2];
	[bflag:$0x3] =	sbarrier.arrive $0xFFFF;
	s2 =	simm.s32 @!p0 $0x1C09  }
0x90: {  	[timem:s3], [sflag:s2] =	dma.local @!p0 [hbm:s0], s1  }
0x91: {  	s0 =	simm.s32 @!p0 $0x9  }
0x92: {  	_ =	swait.ge @!p0 [sflag:s0], s1  }
0x93: {  	s1 =	ssub.s32 @!p0 $0x0, s1;
	[sflag:s0] =	ssyncset.done @!p0 $0x0  }
0x94: {  	[sflag:s0] =	ssyncadd.s32 @!p0 s1  }
0x95: {  	[bflag:$0x3] =	sbarrier.arrive $0xFFFF  }
0x96: {  	_ =	shalt  }

</sc_bundles>
